<compile_context>
chip_gen: v7x
topology: tpu7x:2x2x1
jax: 0.10.2.dev20260603
libtpu: 0.0.44.dev20260713+nightly
codegen_flags: <defaults>
</compile_context>

<pallas_src>
import functools

import jax
import jax.numpy as jnp
from jax import lax
from jax.experimental import pallas as pl
from jax.experimental.pallas import tpu as pltpu
from jax.experimental.pallas import tpu_sc as plsc

TOKENS = 32768
HIDDEN = 1024
NUM_EXPERTS = 8
TOP_K = 2
AUX_LOSS_COEF = 0.01

BLOCK_M = 2048

NC = 2
NS = 16
NW = NC * NS
TPW = TOKENS // NW
NV = TPW // 16
FM = 2 * NUM_EXPERTS * 16


def _matmul_kernel(xa_ref, xb_ref, w_ref, b_ref, out_ref):
    la = jax.lax.dot_general(
        w_ref[...], xa_ref[...], (((0,), (1,)), ((), ())),
        preferred_element_type=jnp.float32)
    lb = jax.lax.dot_general(
        w_ref[...], xb_ref[...], (((0,), (1,)), ((), ())),
        preferred_element_type=jnp.float32)
    out_ref[0] = la + b_ref[...]
    out_ref[1] = lb + b_ref[...]


def _gate_logits_t(x, W, b):
    grid = TOKENS // BLOCK_M
    return pl.pallas_call(
        _matmul_kernel,
        grid=(grid,),
        in_specs=[
            pl.BlockSpec((BLOCK_M // 2, HIDDEN), lambda i: (2 * i, 0)),
            pl.BlockSpec((BLOCK_M // 2, HIDDEN), lambda i: (2 * i + 1, 0)),
            pl.BlockSpec((HIDDEN, NUM_EXPERTS), lambda i: (0, 0)),
            pl.BlockSpec((NUM_EXPERTS, 1), lambda i: (0, 0)),
        ],
        out_specs=pl.BlockSpec((2, NUM_EXPERTS, TPW), lambda i: (i, 0, 0)),
        out_shape=jax.ShapeDtypeStruct((NW, NUM_EXPERTS, TPW), jnp.float32),
    )(x, x, W, b.reshape(NUM_EXPERTS, 1))


def _sc_router(logits_hbm, idx_hbm, scores_hbm, mask_hbm, fm_hbm,
               lg_v, idx_v, sc_v, mk_v, fm_v):
    wid = lax.axis_index("s") * NC + lax.axis_index("c")
    base = wid * TPW
    pltpu.sync_copy(logits_hbm.at[wid], lg_v)

    zeros_f = jnp.zeros((16,), jnp.float32)

    def body(j, accs):
        f_acc = list(accs[0])
        m_acc = list(accs[1])
        t0 = j * 16
        l = [lg_v[e, pl.ds(t0, 16)] for e in range(NUM_EXPERTS)]

        top1 = l[0]
        for e in range(1, NUM_EXPERTS):
            top1 = jnp.maximum(top1, l[e])
        idx1 = jnp.full((16,), NUM_EXPERTS, jnp.int32)
        for e in range(NUM_EXPERTS - 1, -1, -1):
            idx1 = jnp.where(l[e] == top1, jnp.int32(e), idx1)

        neg = jnp.float32(-jnp.inf)
        top2 = jnp.full((16,), neg, jnp.float32)
        for e in range(NUM_EXPERTS):
            le = jnp.where(idx1 == e, neg, l[e])
            top2 = jnp.maximum(top2, le)
        idx2 = jnp.full((16,), NUM_EXPERTS, jnp.int32)
        for e in range(NUM_EXPERTS - 1, -1, -1):
            hit = jnp.logical_and(l[e] == top2, idx1 != e)
            idx2 = jnp.where(hit, jnp.int32(e), idx2)

        e2 = jnp.exp(top2 - top1)
        s1 = 1.0 / (1.0 + e2)

        den = zeros_f
        p = []
        for e in range(NUM_EXPERTS):
            pe = jnp.exp(l[e] - top1)
            p.append(pe)
            den = den + pe
        inv = 1.0 / den

        for e in range(NUM_EXPERTS):
            m_acc[e] = m_acc[e] + p[e] * inv
            hot1 = jnp.where(idx1 == e, 1.0, 0.0)
            hot2 = jnp.where(idx2 == e, 1.0, 0.0)
            f_acc[e] = f_acc[e] + hot1 + hot2
            mk_v[pl.ds(e * TPW + t0, 16)] = hot1
            mk_v[pl.ds((NUM_EXPERTS + e) * TPW + t0, 16)] = hot2

        idx_v[pl.ds(t0, 16)] = idx1
        idx_v[pl.ds(TPW + t0, 16)] = idx2
        sc_v[pl.ds(t0, 16)] = s1
        sc_v[pl.ds(TPW + t0, 16)] = 1.0 - s1
        return (tuple(f_acc), tuple(m_acc))

    init = (tuple(jnp.zeros((16,), jnp.float32) for _ in range(NUM_EXPERTS)),
            tuple(jnp.zeros((16,), jnp.float32) for _ in range(NUM_EXPERTS)))
    f_acc, m_acc = lax.fori_loop(0, NV, body, init)
    for e in range(NUM_EXPERTS):
        fm_v[pl.ds(e * 16, 16)] = f_acc[e]
        fm_v[pl.ds((NUM_EXPERTS + e) * 16, 16)] = m_acc[e]

    for s in range(TOP_K):
        pltpu.sync_copy(idx_v.at[pl.ds(s * TPW, TPW)],
                        idx_hbm.at[pl.ds(s * TOKENS + base, TPW)])
        pltpu.sync_copy(sc_v.at[pl.ds(s * TPW, TPW)],
                        scores_hbm.at[pl.ds(s * TOKENS + base, TPW)])
    for r in range(TOP_K * NUM_EXPERTS):
        pltpu.sync_copy(mk_v.at[pl.ds(r * TPW, TPW)],
                        mask_hbm.at[pl.ds(r * TOKENS + base, TPW)])
    pltpu.sync_copy(fm_v, fm_hbm.at[pl.ds(wid * FM, FM)])


_sc_call = functools.partial(
    pl.kernel,
    mesh=plsc.VectorSubcoreMesh(core_axis_name="c", subcore_axis_name="s"),
    out_type=[
        jax.ShapeDtypeStruct((TOP_K * TOKENS,), jnp.int32),
        jax.ShapeDtypeStruct((TOP_K * TOKENS,), jnp.float32),
        jax.ShapeDtypeStruct((TOP_K * NUM_EXPERTS * TOKENS,), jnp.float32),
        jax.ShapeDtypeStruct((NW * FM,), jnp.float32),
    ],
    scratch_types=[
        pltpu.VMEM((NUM_EXPERTS, TPW), jnp.float32),
        pltpu.VMEM((TOP_K * TPW,), jnp.int32),
        pltpu.VMEM((TOP_K * TPW,), jnp.float32),
        pltpu.VMEM((TOP_K * NUM_EXPERTS * TPW,), jnp.float32),
        pltpu.VMEM((FM,), jnp.float32),
    ],
)(_sc_router)


@functools.partial(jax.jit, static_argnames=())
def kernel(x, W, b):
    logits_t = _gate_logits_t(x, W, b)
    idx_f, scores_f, mask_f, fm = _sc_call(logits_t)
    expert_indices = idx_f.reshape(TOP_K, TOKENS).T
    scores = scores_f.reshape(TOP_K, TOKENS).T
    expert_mask = mask_f.reshape(TOP_K, NUM_EXPERTS, TOKENS).transpose(2, 0, 1)
    fm2 = fm.reshape(NW, 2 * NUM_EXPERTS, 16)
    f_i = jnp.sum(fm2[:, :NUM_EXPERTS, :], axis=(0, 2)) / (TOKENS * TOP_K)
    m_i = jnp.sum(fm2[:, NUM_EXPERTS:, :], axis=(0, 2)) / TOKENS
    aux = (AUX_LOSS_COEF / NUM_EXPERTS) * jnp.sum(f_i * m_i)
    return expert_indices, scores, expert_mask, aux

# --- scband reference (transcript-rebuilt; emitter-appended) ---
"""Pipeline reference for scband-global-router-78606491451537 (READ-ONLY COPY).

The authoritative reference and input builder live on the scoring server;
editing this copy changes nothing except your own understanding.
"""

import jax, jax.numpy as jnp
import numpy as np

TOKENS = 32768
HIDDEN = 1024
NUM_EXPERTS = 8
TOP_K = 2
AUX_LOSS_COEF = 0.01


def setup_inputs(seed: int = 0) -> dict:
    key = jax.random.key(seed)
    kx, kw, kb = jax.random.split(key, 3)
    x = jax.random.normal(kx, (TOKENS, HIDDEN), dtype=jnp.float32)
    # xavier_uniform init for router gate kernel
    limit = float(np.sqrt(6.0 / (HIDDEN + NUM_EXPERTS)))
    W = jax.random.uniform(kw, (HIDDEN, NUM_EXPERTS), dtype=jnp.float32, minval=-limit, maxval=limit)
    b = jnp.zeros((NUM_EXPERTS,), dtype=jnp.float32)
    return {"x": x, "W": W, "b": b}


def reference(x, W, b):
    gate_logits = jnp.dot(x, W) + b
    scores, expert_indices = jax.lax.top_k(gate_logits, TOP_K)
    scores = jax.nn.softmax(scores, axis=-1)
    expert_mask = jax.nn.one_hot(expert_indices, NUM_EXPERTS)
    f_i = jnp.mean(expert_mask, axis=(0, 1))
    m_i = jnp.mean(jax.nn.softmax(gate_logits, axis=-1), axis=0)
    aux_loss = AUX_LOSS_COEF * jnp.sum(f_i * m_i) / NUM_EXPERTS
    return (expert_indices, scores, expert_mask, aux_loss)

if __name__ == "__main__":
    import jax
    _d = setup_inputs()
    print(jax.jit(kernel)(*tuple(_d.values())))

</pallas_src>

<mosaic_0001>
#map = affine_map<(d0, d1) -> (0, 0, 0)>
#map1 = affine_map<(d0, d1) -> (0)>
module attributes {stable_mosaic.version = 14 : i64} {
  func.func @_sc_router(%arg0: i32, %arg1: i32, %arg2: memref<32x8x1024xf32, #tpu.memory_space<hbm>>, %arg3: memref<65536xi32, #tpu.memory_space<hbm>>, %arg4: memref<65536xf32, #tpu.memory_space<hbm>>, %arg5: memref<524288xf32, #tpu.memory_space<hbm>>, %arg6: memref<8192xf32, #tpu.memory_space<hbm>>, %arg7: memref<8x1024xf32, #tpu.memory_space<vmem>>, %arg8: memref<2048xi32, #tpu.memory_space<vmem>>, %arg9: memref<2048xf32, #tpu.memory_space<vmem>>, %arg10: memref<16384xf32, #tpu.memory_space<vmem>>, %arg11: memref<256xf32, #tpu.memory_space<vmem>>) attributes {dimension_semantics = [#tpu.dimension_semantics<core_parallel>, #tpu.dimension_semantics<subcore_parallel>], iteration_bounds = array<i64: 2, 16>, scalar_prefetch = 0 : i64, scratch_operands = 5 : i64, tpu.core_type = #tpu.core_type<sc_vector_subcore>, window_params = [{transform_indices = #map}, {transform_indices = #map1}, {transform_indices = #map1}, {transform_indices = #map1}, {transform_indices = #map1}]} {
    %mul3A = arith.constant 2 : i32
    %mul3A_0 = arith.muli %arg1, %mul3A : i32
    %add3A = arith.addi %mul3A_0, %arg0 : i32
    %mul3A_1 = arith.constant 1024 : i32
    %mul3A_2 = arith.muli %add3A, %mul3A_1 : i32
    "tpu.region"() ({
      %run_scoped3A = tpu.sem_alloc : memref<!tpu.dma_semaphore, #tpu.memory_space<semaphore_mem>>
      %dma_start3A = arith.constant 0 : i32
      %dma_start3A_146 = arith.constant 0 : i32
      %dma_start3A_147 = tpu.memref_slice %arg2[%add3A, %dma_start3A, %dma_start3A_146] : memref<32x8x1024xf32, #tpu.memory_space<hbm>> -> memref<1x8x1024xf32, #tpu.memory_space<hbm>>
      %dma_start3A_148 = tpu.memref_squeeze %dma_start3A_147 : memref<1x8x1024xf32, #tpu.memory_space<hbm>> -> memref<8x1024xf32, #tpu.memory_space<hbm>>
      %dma_start3A_149 = arith.constant 0 : i32
      %dma_start3A_150 = arith.constant 0 : i32
      %dma_start3A_151 = tpu.memref_slice %arg2[%add3A, %dma_start3A_149, %dma_start3A_150] : memref<32x8x1024xf32, #tpu.memory_space<hbm>> -> memref<1x8x1024xf32, #tpu.memory_space<hbm>>
      %dma_start3A_152 = tpu.memref_squeeze %dma_start3A_151 : memref<1x8x1024xf32, #tpu.memory_space<hbm>> -> memref<8x1024xf32, #tpu.memory_space<hbm>>
      tpu.enqueue_dma source(%dma_start3A_152 : memref<8x1024xf32, #tpu.memory_space<hbm>>) target(%arg7 : memref<8x1024xf32, #tpu.memory_space<vmem>>) target_semaphore(%run_scoped3A : memref<!tpu.dma_semaphore, #tpu.memory_space<semaphore_mem>>)
      %dma_wait3A = arith.constant 0 : i32
      %dma_wait3A_153 = arith.constant 0 : i32
      %dma_wait3A_154 = tpu.memref_slice %arg2[%add3A, %dma_wait3A, %dma_wait3A_153] : memref<32x8x1024xf32, #tpu.memory_space<hbm>> -> memref<1x8x1024xf32, #tpu.memory_space<hbm>>
      %dma_wait3A_155 = tpu.memref_squeeze %dma_wait3A_154 : memref<1x8x1024xf32, #tpu.memory_space<hbm>> -> memref<8x1024xf32, #tpu.memory_space<hbm>>
      %dma_wait3A_156 = arith.constant 0 : i32
      %dma_wait3A_157 = arith.constant 0 : i32
      %dma_wait3A_158 = tpu.memref_slice %arg2[%add3A, %dma_wait3A_156, %dma_wait3A_157] : memref<32x8x1024xf32, #tpu.memory_space<hbm>> -> memref<1x8x1024xf32, #tpu.memory_space<hbm>>
      %dma_wait3A_159 = tpu.memref_squeeze %dma_wait3A_158 : memref<1x8x1024xf32, #tpu.memory_space<hbm>> -> memref<8x1024xf32, #tpu.memory_space<hbm>>
      tpu.wait_dma2 semaphore(%run_scoped3A : memref<!tpu.dma_semaphore, #tpu.memory_space<semaphore_mem>>) src(%dma_wait3A_159 : memref<8x1024xf32, #tpu.memory_space<hbm>>) dst(%arg7 : memref<8x1024xf32, #tpu.memory_space<vmem>>)
      tpu.yield
    }) : () -> ()
    %broadcast_in_dim3A = arith.constant 0.000000e+00 : f32
    %broadcast_in_dim3A_3 = vector.broadcast %broadcast_in_dim3A : f32 to vector<16xf32>
    %broadcast_in_dim3A_4 = arith.constant 0.000000e+00 : f32
    %broadcast_in_dim3A_5 = vector.broadcast %broadcast_in_dim3A_4 : f32 to vector<16xf32>
    %broadcast_in_dim3A_6 = arith.constant 0.000000e+00 : f32
    %broadcast_in_dim3A_7 = vector.broadcast %broadcast_in_dim3A_6 : f32 to vector<16xf32>
    %broadcast_in_dim3A_8 = arith.constant 0.000000e+00 : f32
    %broadcast_in_dim3A_9 = vector.broadcast %broadcast_in_dim3A_8 : f32 to vector<16xf32>
    %broadcast_in_dim3A_10 = arith.constant 0.000000e+00 : f32
    %broadcast_in_dim3A_11 = vector.broadcast %broadcast_in_dim3A_10 : f32 to vector<16xf32>
    %broadcast_in_dim3A_12 = arith.constant 0.000000e+00 : f32
    %broadcast_in_dim3A_13 = vector.broadcast %broadcast_in_dim3A_12 : f32 to vector<16xf32>
    %broadcast_in_dim3A_14 = arith.constant 0.000000e+00 : f32
    %broadcast_in_dim3A_15 = vector.broadcast %broadcast_in_dim3A_14 : f32 to vector<16xf32>
    %broadcast_in_dim3A_16 = arith.constant 0.000000e+00 : f32
    %broadcast_in_dim3A_17 = vector.broadcast %broadcast_in_dim3A_16 : f32 to vector<16xf32>
    %broadcast_in_dim3A_18 = arith.constant 0.000000e+00 : f32
    %broadcast_in_dim3A_19 = vector.broadcast %broadcast_in_dim3A_18 : f32 to vector<16xf32>
    %broadcast_in_dim3A_20 = arith.constant 0.000000e+00 : f32
    %broadcast_in_dim3A_21 = vector.broadcast %broadcast_in_dim3A_20 : f32 to vector<16xf32>
    %broadcast_in_dim3A_22 = arith.constant 0.000000e+00 : f32
    %broadcast_in_dim3A_23 = vector.broadcast %broadcast_in_dim3A_22 : f32 to vector<16xf32>
    %broadcast_in_dim3A_24 = arith.constant 0.000000e+00 : f32
    %broadcast_in_dim3A_25 = vector.broadcast %broadcast_in_dim3A_24 : f32 to vector<16xf32>
    %broadcast_in_dim3A_26 = arith.constant 0.000000e+00 : f32
    %broadcast_in_dim3A_27 = vector.broadcast %broadcast_in_dim3A_26 : f32 to vector<16xf32>
    %broadcast_in_dim3A_28 = arith.constant 0.000000e+00 : f32
    %broadcast_in_dim3A_29 = vector.broadcast %broadcast_in_dim3A_28 : f32 to vector<16xf32>
    %broadcast_in_dim3A_30 = arith.constant 0.000000e+00 : f32
    %broadcast_in_dim3A_31 = vector.broadcast %broadcast_in_dim3A_30 : f32 to vector<16xf32>
    %broadcast_in_dim3A_32 = arith.constant 0.000000e+00 : f32
    %broadcast_in_dim3A_33 = vector.broadcast %broadcast_in_dim3A_32 : f32 to vector<16xf32>
    %broadcast_in_dim3A_34 = arith.constant 0.000000e+00 : f32
    %broadcast_in_dim3A_35 = vector.broadcast %broadcast_in_dim3A_34 : f32 to vector<16xf32>
    %scan3A = arith.constant 0 : i32
    %scan3A_36 = arith.constant 64 : i32
    %scan3A_37 = arith.addi %scan3A, %scan3A_36 : i32
    %scan3A_38 = arith.constant 1 : i32
    %scan3A_39:16 = scf.for %scan3A_146 = %scan3A to %scan3A_37 step %scan3A_38 iter_args(%scan3A_147 = %broadcast_in_dim3A_5, %scan3A_148 = %broadcast_in_dim3A_7, %scan3A_149 = %broadcast_in_dim3A_9, %scan3A_150 = %broadcast_in_dim3A_11, %scan3A_151 = %broadcast_in_dim3A_13, %scan3A_152 = %broadcast_in_dim3A_15, %scan3A_153 = %broadcast_in_dim3A_17, %scan3A_154 = %broadcast_in_dim3A_19, %scan3A_155 = %broadcast_in_dim3A_21, %scan3A_156 = %broadcast_in_dim3A_23, %scan3A_157 = %broadcast_in_dim3A_25, %scan3A_158 = %broadcast_in_dim3A_27, %scan3A_159 = %broadcast_in_dim3A_29, %scan3A_160 = %broadcast_in_dim3A_31, %scan3A_161 = %broadcast_in_dim3A_33, %scan3A_162 = %broadcast_in_dim3A_35) -> (vector<16xf32>, vector<16xf32>, vector<16xf32>, vector<16xf32>, vector<16xf32>, vector<16xf32>, vector<16xf32>, vector<16xf32>, vector<16xf32>, vector<16xf32>, vector<16xf32>, vector<16xf32>, vector<16xf32>, vector<16xf32>, vector<16xf32>, vector<16xf32>)  : i32 {
      %mul3A_163 = arith.constant 16 : i32
      %mul3A_164 = arith.muli %scan3A_146, %mul3A_163 : i32
      %get3A = arith.constant 0 : i32
      %get3A_165 = arith.index_cast %get3A : i32 to index
      %get3A_166 = arith.index_cast %mul3A_164 : i32 to index
      %get3A_167 = tpu.vector_load %arg7[%get3A_165, %get3A_166] {strides = array<i32>} : memref<8x1024xf32, #tpu.memory_space<vmem>>, vector<1x16xf32>,
      %get3A_168 = vector.shape_cast %get3A_167 : vector<1x16xf32> to vector<16xf32>
      %get3A_169 = arith.constant 1 : i32
      %get3A_170 = arith.index_cast %get3A_169 : i32 to index
      %get3A_171 = arith.index_cast %mul3A_164 : i32 to index
      %get3A_172 = tpu.vector_load %arg7[%get3A_170, %get3A_171] {strides = array<i32>} : memref<8x1024xf32, #tpu.memory_space<vmem>>, vector<1x16xf32>,
      %get3A_173 = vector.shape_cast %get3A_172 : vector<1x16xf32> to vector<16xf32>
      %get3A_174 = arith.constant 2 : i32
      %get3A_175 = arith.index_cast %get3A_174 : i32 to index
      %get3A_176 = arith.index_cast %mul3A_164 : i32 to index
      %get3A_177 = tpu.vector_load %arg7[%get3A_175, %get3A_176] {strides = array<i32>} : memref<8x1024xf32, #tpu.memory_space<vmem>>, vector<1x16xf32>,
      %get3A_178 = vector.shape_cast %get3A_177 : vector<1x16xf32> to vector<16xf32>
      %get3A_179 = arith.constant 3 : i32
      %get3A_180 = arith.index_cast %get3A_179 : i32 to index
      %get3A_181 = arith.index_cast %mul3A_164 : i32 to index
      %get3A_182 = tpu.vector_load %arg7[%get3A_180, %get3A_181] {strides = array<i32>} : memref<8x1024xf32, #tpu.memory_space<vmem>>, vector<1x16xf32>,
      %get3A_183 = vector.shape_cast %get3A_182 : vector<1x16xf32> to vector<16xf32>
      %get3A_184 = arith.constant 4 : i32
      %get3A_185 = arith.index_cast %get3A_184 : i32 to index
      %get3A_186 = arith.index_cast %mul3A_164 : i32 to index
      %get3A_187 = tpu.vector_load %arg7[%get3A_185, %get3A_186] {strides = array<i32>} : memref<8x1024xf32, #tpu.memory_space<vmem>>, vector<1x16xf32>,
      %get3A_188 = vector.shape_cast %get3A_187 : vector<1x16xf32> to vector<16xf32>
      %get3A_189 = arith.constant 5 : i32
      %get3A_190 = arith.index_cast %get3A_189 : i32 to index
      %get3A_191 = arith.index_cast %mul3A_164 : i32 to index
      %get3A_192 = tpu.vector_load %arg7[%get3A_190, %get3A_191] {strides = array<i32>} : memref<8x1024xf32, #tpu.memory_space<vmem>>, vector<1x16xf32>,
      %get3A_193 = vector.shape_cast %get3A_192 : vector<1x16xf32> to vector<16xf32>
      %get3A_194 = arith.constant 6 : i32
      %get3A_195 = arith.index_cast %get3A_194 : i32 to index
      %get3A_196 = arith.index_cast %mul3A_164 : i32 to index
      %get3A_197 = tpu.vector_load %arg7[%get3A_195, %get3A_196] {strides = array<i32>} : memref<8x1024xf32, #tpu.memory_space<vmem>>, vector<1x16xf32>,
      %get3A_198 = vector.shape_cast %get3A_197 : vector<1x16xf32> to vector<16xf32>
      %get3A_199 = arith.constant 7 : i32
      %get3A_200 = arith.index_cast %get3A_199 : i32 to index
      %get3A_201 = arith.index_cast %mul3A_164 : i32 to index
      %get3A_202 = tpu.vector_load %arg7[%get3A_200, %get3A_201] {strides = array<i32>} : memref<8x1024xf32, #tpu.memory_space<vmem>>, vector<1x16xf32>,
      %get3A_203 = vector.shape_cast %get3A_202 : vector<1x16xf32> to vector<16xf32>
      %max3A = arith.maximumf %get3A_168, %get3A_173 : vector<16xf32>
      %max3A_204 = arith.maximumf %max3A, %get3A_178 : vector<16xf32>
      %max3A_205 = arith.maximumf %max3A_204, %get3A_183 : vector<16xf32>
      %max3A_206 = arith.maximumf %max3A_205, %get3A_188 : vector<16xf32>
      %max3A_207 = arith.maximumf %max3A_206, %get3A_193 : vector<16xf32>
      %max3A_208 = arith.maximumf %max3A_207, %get3A_198 : vector<16xf32>
      %max3A_209 = arith.maximumf %max3A_208, %get3A_203 : vector<16xf32>
      %broadcast_in_dim3A_210 = arith.constant 8 : i32
      %broadcast_in_dim3A_211 = vector.broadcast %broadcast_in_dim3A_210 : i32 to vector<16xi32>
      %eq3A = arith.cmpf oeq, %get3A_203, %max3A_209 : vector<16xf32>
      %jit3A = arith.constant 7 : i32
      %broadcast_in_dim3A_212 = vector.broadcast %jit3A : i32 to vector<16xi32>
      %select_n3A = arith.select %eq3A, %broadcast_in_dim3A_212, %broadcast_in_dim3A_211 : vector<16xi1>, vector<16xi32>
      %eq3A_213 = arith.cmpf oeq, %get3A_198, %max3A_209 : vector<16xf32>
      %jit3A_214 = arith.constant 6 : i32
      %broadcast_in_dim3A_215 = vector.broadcast %jit3A_214 : i32 to vector<16xi32>
      %select_n3A_216 = arith.select %eq3A_213, %broadcast_in_dim3A_215, %select_n3A : vector<16xi1>, vector<16xi32>
      %eq3A_217 = arith.cmpf oeq, %get3A_193, %max3A_209 : vector<16xf32>
      %jit3A_218 = arith.constant 5 : i32
      %broadcast_in_dim3A_219 = vector.broadcast %jit3A_218 : i32 to vector<16xi32>
      %select_n3A_220 = arith.select %eq3A_217, %broadcast_in_dim3A_219, %select_n3A_216 : vector<16xi1>, vector<16xi32>
      %eq3A_221 = arith.cmpf oeq, %get3A_188, %max3A_209 : vector<16xf32>
      %jit3A_222 = arith.constant 4 : i32
      %broadcast_in_dim3A_223 = vector.broadcast %jit3A_222 : i32 to vector<16xi32>
      %select_n3A_224 = arith.select %eq3A_221, %broadcast_in_dim3A_223, %select_n3A_220 : vector<16xi1>, vector<16xi32>
      %eq3A_225 = arith.cmpf oeq, %get3A_183, %max3A_209 : vector<16xf32>
      %jit3A_226 = arith.constant 3 : i32
      %broadcast_in_dim3A_227 = vector.broadcast %jit3A_226 : i32 to vector<16xi32>
      %select_n3A_228 = arith.select %eq3A_225, %broadcast_in_dim3A_227, %select_n3A_224 : vector<16xi1>, vector<16xi32>
      %eq3A_229 = arith.cmpf oeq, %get3A_178, %max3A_209 : vector<16xf32>
      %jit3A_230 = arith.constant 2 : i32
      %broadcast_in_dim3A_231 = vector.broadcast %jit3A_230 : i32 to vector<16xi32>
      %select_n3A_232 = arith.select %eq3A_229, %broadcast_in_dim3A_231, %select_n3A_228 : vector<16xi1>, vector<16xi32>
      %eq3A_233 = arith.cmpf oeq, %get3A_173, %max3A_209 : vector<16xf32>
      %jit3A_234 = arith.constant 1 : i32
      %broadcast_in_dim3A_235 = vector.broadcast %jit3A_234 : i32 to vector<16xi32>
      %select_n3A_236 = arith.select %eq3A_233, %broadcast_in_dim3A_235, %select_n3A_232 : vector<16xi1>, vector<16xi32>
      %eq3A_237 = arith.cmpf oeq, %get3A_168, %max3A_209 : vector<16xf32>
      %jit3A_238 = arith.constant 0 : i32
      %broadcast_in_dim3A_239 = vector.broadcast %jit3A_238 : i32 to vector<16xi32>
      %select_n3A_240 = arith.select %eq3A_237, %broadcast_in_dim3A_239, %select_n3A_236 : vector<16xi1>, vector<16xi32>
      %broadcast_in_dim3A_241 = arith.constant 0xFF800000 : f32
      %broadcast_in_dim3A_242 = vector.broadcast %broadcast_in_dim3A_241 : f32 to vector<16xf32>
      %eq3A_243 = arith.constant 0 : i32
      %eq3A_244 = vector.broadcast %eq3A_243 : i32 to vector<16xi32>
      %eq3A_245 = arith.cmpi eq, %select_n3A_240, %eq3A_244 : vector<16xi32>
      %jit3A_246 = arith.constant 0xFF800000 : f32
      %broadcast_in_dim3A_247 = vector.broadcast %jit3A_246 : f32 to vector<16xf32>
      %select_n3A_248 = arith.select %eq3A_245, %broadcast_in_dim3A_247, %get3A_168 : vector<16xi1>, vector<16xf32>
      %max3A_249 = arith.maximumf %broadcast_in_dim3A_242, %select_n3A_248 : vector<16xf32>
      %eq3A_250 = arith.constant 1 : i32
      %eq3A_251 = vector.broadcast %eq3A_250 : i32 to vector<16xi32>
      %eq3A_252 = arith.cmpi eq, %select_n3A_240, %eq3A_251 : vector<16xi32>
      %jit3A_253 = arith.constant 0xFF800000 : f32
      %broadcast_in_dim3A_254 = vector.broadcast %jit3A_253 : f32 to vector<16xf32>
      %select_n3A_255 = arith.select %eq3A_252, %broadcast_in_dim3A_254, %get3A_173 : vector<16xi1>, vector<16xf32>
      %max3A_256 = arith.maximumf %max3A_249, %select_n3A_255 : vector<16xf32>
      %eq3A_257 = arith.constant 2 : i32
      %eq3A_258 = vector.broadcast %eq3A_257 : i32 to vector<16xi32>
      %eq3A_259 = arith.cmpi eq, %select_n3A_240, %eq3A_258 : vector<16xi32>
      %jit3A_260 = arith.constant 0xFF800000 : f32
      %broadcast_in_dim3A_261 = vector.broadcast %jit3A_260 : f32 to vector<16xf32>
      %select_n3A_262 = arith.select %eq3A_259, %broadcast_in_dim3A_261, %get3A_178 : vector<16xi1>, vector<16xf32>
      %max3A_263 = arith.maximumf %max3A_256, %select_n3A_262 : vector<16xf32>
      %eq3A_264 = arith.constant 3 : i32
      %eq3A_265 = vector.broadcast %eq3A_264 : i32 to vector<16xi32>
      %eq3A_266 = arith.cmpi eq, %select_n3A_240, %eq3A_265 : vector<16xi32>
      %jit3A_267 = arith.constant 0xFF800000 : f32
      %broadcast_in_dim3A_268 = vector.broadcast %jit3A_267 : f32 to vector<16xf32>
      %select_n3A_269 = arith.select %eq3A_266, %broadcast_in_dim3A_268, %get3A_183 : vector<16xi1>, vector<16xf32>
      %max3A_270 = arith.maximumf %max3A_263, %select_n3A_269 : vector<16xf32>
      %eq3A_271 = arith.constant 4 : i32
      %eq3A_272 = vector.broadcast %eq3A_271 : i32 to vector<16xi32>
      %eq3A_273 = arith.cmpi eq, %select_n3A_240, %eq3A_272 : vector<16xi32>
      %jit3A_274 = arith.constant 0xFF800000 : f32
      %broadcast_in_dim3A_275 = vector.broadcast %jit3A_274 : f32 to vector<16xf32>
      %select_n3A_276 = arith.select %eq3A_273, %broadcast_in_dim3A_275, %get3A_188 : vector<16xi1>, vector<16xf32>
      %max3A_277 = arith.maximumf %max3A_270, %select_n3A_276 : vector<16xf32>
      %eq3A_278 = arith.constant 5 : i32
      %eq3A_279 = vector.broadcast %eq3A_278 : i32 to vector<16xi32>
      %eq3A_280 = arith.cmpi eq, %select_n3A_240, %eq3A_279 : vector<16xi32>
      %jit3A_281 = arith.constant 0xFF800000 : f32
      %broadcast_in_dim3A_282 = vector.broadcast %jit3A_281 : f32 to vector<16xf32>
      %select_n3A_283 = arith.select %eq3A_280, %broadcast_in_dim3A_282, %get3A_193 : vector<16xi1>, vector<16xf32>
      %max3A_284 = arith.maximumf %max3A_277, %select_n3A_283 : vector<16xf32>
      %eq3A_285 = arith.constant 6 : i32
      %eq3A_286 = vector.broadcast %eq3A_285 : i32 to vector<16xi32>
      %eq3A_287 = arith.cmpi eq, %select_n3A_240, %eq3A_286 : vector<16xi32>
      %jit3A_288 = arith.constant 0xFF800000 : f32
      %broadcast_in_dim3A_289 = vector.broadcast %jit3A_288 : f32 to vector<16xf32>
      %select_n3A_290 = arith.select %eq3A_287, %broadcast_in_dim3A_289, %get3A_198 : vector<16xi1>, vector<16xf32>
      %max3A_291 = arith.maximumf %max3A_284, %select_n3A_290 : vector<16xf32>
      %eq3A_292 = arith.constant 7 : i32
      %eq3A_293 = vector.broadcast %eq3A_292 : i32 to vector<16xi32>
      %eq3A_294 = arith.cmpi eq, %select_n3A_240, %eq3A_293 : vector<16xi32>
      %jit3A_295 = arith.constant 0xFF800000 : f32
      %broadcast_in_dim3A_296 = vector.broadcast %jit3A_295 : f32 to vector<16xf32>
      %select_n3A_297 = arith.select %eq3A_294, %broadcast_in_dim3A_296, %get3A_203 : vector<16xi1>, vector<16xf32>
      %max3A_298 = arith.maximumf %max3A_291, %select_n3A_297 : vector<16xf32>
      %broadcast_in_dim3A_299 = arith.constant 8 : i32
      %broadcast_in_dim3A_300 = vector.broadcast %broadcast_in_dim3A_299 : i32 to vector<16xi32>
      %eq3A_301 = arith.cmpf oeq, %get3A_203, %max3A_298 : vector<16xf32>
      %ne3A = arith.constant 7 : i32
      %ne3A_302 = vector.broadcast %ne3A : i32 to vector<16xi32>
      %ne3A_303 = arith.cmpi ne, %select_n3A_240, %ne3A_302 : vector<16xi32>
      %and3A = arith.andi %eq3A_301, %ne3A_303 : vector<16xi1>
      %jit3A_304 = arith.constant 7 : i32
      %broadcast_in_dim3A_305 = vector.broadcast %jit3A_304 : i32 to vector<16xi32>
      %select_n3A_306 = arith.select %and3A, %broadcast_in_dim3A_305, %broadcast_in_dim3A_300 : vector<16xi1>, vector<16xi32>
      %eq3A_307 = arith.cmpf oeq, %get3A_198, %max3A_298 : vector<16xf32>
      %ne3A_308 = arith.constant 6 : i32
      %ne3A_309 = vector.broadcast %ne3A_308 : i32 to vector<16xi32>
      %ne3A_310 = arith.cmpi ne, %select_n3A_240, %ne3A_309 : vector<16xi32>
      %and3A_311 = arith.andi %eq3A_307, %ne3A_310 : vector<16xi1>
      %jit3A_312 = arith.constant 6 : i32
      %broadcast_in_dim3A_313 = vector.broadcast %jit3A_312 : i32 to vector<16xi32>
      %select_n3A_314 = arith.select %and3A_311, %broadcast_in_dim3A_313, %select_n3A_306 : vector<16xi1>, vector<16xi32>
      %eq3A_315 = arith.cmpf oeq, %get3A_193, %max3A_298 : vector<16xf32>
      %ne3A_316 = arith.constant 5 : i32
      %ne3A_317 = vector.broadcast %ne3A_316 : i32 to vector<16xi32>
      %ne3A_318 = arith.cmpi ne, %select_n3A_240, %ne3A_317 : vector<16xi32>
      %and3A_319 = arith.andi %eq3A_315, %ne3A_318 : vector<16xi1>
      %jit3A_320 = arith.constant 5 : i32
      %broadcast_in_dim3A_321 = vector.broadcast %jit3A_320 : i32 to vector<16xi32>
      %select_n3A_322 = arith.select %and3A_319, %broadcast_in_dim3A_321, %select_n3A_314 : vector<16xi1>, vector<16xi32>
      %eq3A_323 = arith.cmpf oeq, %get3A_188, %max3A_298 : vector<16xf32>
      %ne3A_324 = arith.constant 4 : i32
      %ne3A_325 = vector.broadcast %ne3A_324 : i32 to vector<16xi32>
      %ne3A_326 = arith.cmpi ne, %select_n3A_240, %ne3A_325 : vector<16xi32>
      %and3A_327 = arith.andi %eq3A_323, %ne3A_326 : vector<16xi1>
      %jit3A_328 = arith.constant 4 : i32
      %broadcast_in_dim3A_329 = vector.broadcast %jit3A_328 : i32 to vector<16xi32>
      %select_n3A_330 = arith.select %and3A_327, %broadcast_in_dim3A_329, %select_n3A_322 : vector<16xi1>, vector<16xi32>
      %eq3A_331 = arith.cmpf oeq, %get3A_183, %max3A_298 : vector<16xf32>
      %ne3A_332 = arith.constant 3 : i32
      %ne3A_333 = vector.broadcast %ne3A_332 : i32 to vector<16xi32>
      %ne3A_334 = arith.cmpi ne, %select_n3A_240, %ne3A_333 : vector<16xi32>
      %and3A_335 = arith.andi %eq3A_331, %ne3A_334 : vector<16xi1>
      %jit3A_336 = arith.constant 3 : i32
      %broadcast_in_dim3A_337 = vector.broadcast %jit3A_336 : i32 to vector<16xi32>
      %select_n3A_338 = arith.select %and3A_335, %broadcast_in_dim3A_337, %select_n3A_330 : vector<16xi1>, vector<16xi32>
      %eq3A_339 = arith.cmpf oeq, %get3A_178, %max3A_298 : vector<16xf32>
      %ne3A_340 = arith.constant 2 : i32
      %ne3A_341 = vector.broadcast %ne3A_340 : i32 to vector<16xi32>
      %ne3A_342 = arith.cmpi ne, %select_n3A_240, %ne3A_341 : vector<16xi32>
      %and3A_343 = arith.andi %eq3A_339, %ne3A_342 : vector<16xi1>
      %jit3A_344 = arith.constant 2 : i32
      %broadcast_in_dim3A_345 = vector.broadcast %jit3A_344 : i32 to vector<16xi32>
      %select_n3A_346 = arith.select %and3A_343, %broadcast_in_dim3A_345, %select_n3A_338 : vector<16xi1>, vector<16xi32>
      %eq3A_347 = arith.cmpf oeq, %get3A_173, %max3A_298 : vector<16xf32>
      %ne3A_348 = arith.constant 1 : i32
      %ne3A_349 = vector.broadcast %ne3A_348 : i32 to vector<16xi32>
      %ne3A_350 = arith.cmpi ne, %select_n3A_240, %ne3A_349 : vector<16xi32>
      %and3A_351 = arith.andi %eq3A_347, %ne3A_350 : vector<16xi1>
      %jit3A_352 = arith.constant 1 : i32
      %broadcast_in_dim3A_353 = vector.broadcast %jit3A_352 : i32 to vector<16xi32>
      %select_n3A_354 = arith.select %and3A_351, %broadcast_in_dim3A_353, %select_n3A_346 : vector<16xi1>, vector<16xi32>
      %eq3A_355 = arith.cmpf oeq, %get3A_168, %max3A_298 : vector<16xf32>
      %ne3A_356 = arith.constant 0 : i32
      %ne3A_357 = vector.broadcast %ne3A_356 : i32 to vector<16xi32>
      %ne3A_358 = arith.cmpi ne, %select_n3A_240, %ne3A_357 : vector<16xi32>
      %and3A_359 = arith.andi %eq3A_355, %ne3A_358 : vector<16xi1>
      %jit3A_360 = arith.constant 0 : i32
      %broadcast_in_dim3A_361 = vector.broadcast %jit3A_360 : i32 to vector<16xi32>
      %select_n3A_362 = arith.select %and3A_359, %broadcast_in_dim3A_361, %select_n3A_354 : vector<16xi1>, vector<16xi32>
      %sub3A = arith.subf %max3A_298, %max3A_209 : vector<16xf32>
      %exp3A = math.exp %sub3A : vector<16xf32>
      %add3A_363 = arith.constant 1.000000e+00 : f32
      %add3A_364 = vector.broadcast %add3A_363 : f32 to vector<16xf32>
      %add3A_365 = arith.addf %add3A_364, %exp3A : vector<16xf32>
      %div3A = arith.constant 1.000000e+00 : f32
      %div3A_366 = vector.broadcast %div3A : f32 to vector<16xf32>
      %div3A_367 = arith.divf %div3A_366, %add3A_365 : vector<16xf32>
      %sub3A_368 = arith.subf %get3A_168, %max3A_209 : vector<16xf32>
      %exp3A_369 = math.exp %sub3A_368 : vector<16xf32>
      %add3A_370 = arith.addf %broadcast_in_dim3A_3, %exp3A_369 : vector<16xf32>
      %sub3A_371 = arith.subf %get3A_173, %max3A_209 : vector<16xf32>
      %exp3A_372 = math.exp %sub3A_371 : vector<16xf32>
      %add3A_373 = arith.addf %add3A_370, %exp3A_372 : vector<16xf32>
      %sub3A_374 = arith.subf %get3A_178, %max3A_209 : vector<16xf32>
      %exp3A_375 = math.exp %sub3A_374 : vector<16xf32>
      %add3A_376 = arith.addf %add3A_373, %exp3A_375 : vector<16xf32>
      %sub3A_377 = arith.subf %get3A_183, %max3A_209 : vector<16xf32>
      %exp3A_378 = math.exp %sub3A_377 : vector<16xf32>
      %add3A_379 = arith.addf %add3A_376, %exp3A_378 : vector<16xf32>
      %sub3A_380 = arith.subf %get3A_188, %max3A_209 : vector<16xf32>
      %exp3A_381 = math.exp %sub3A_380 : vector<16xf32>
      %add3A_382 = arith.addf %add3A_379, %exp3A_381 : vector<16xf32>
      %sub3A_383 = arith.subf %get3A_193, %max3A_209 : vector<16xf32>
      %exp3A_384 = math.exp %sub3A_383 : vector<16xf32>
      %add3A_385 = arith.addf %add3A_382, %exp3A_384 : vector<16xf32>
      %sub3A_386 = arith.subf %get3A_198, %max3A_209 : vector<16xf32>
      %exp3A_387 = math.exp %sub3A_386 : vector<16xf32>
      %add3A_388 = arith.addf %add3A_385, %exp3A_387 : vector<16xf32>
      %sub3A_389 = arith.subf %get3A_203, %max3A_209 : vector<16xf32>
      %exp3A_390 = math.exp %sub3A_389 : vector<16xf32>
      %add3A_391 = arith.addf %add3A_388, %exp3A_390 : vector<16xf32>
      %div3A_392 = arith.constant 1.000000e+00 : f32
      %div3A_393 = vector.broadcast %div3A_392 : f32 to vector<16xf32>
      %div3A_394 = arith.divf %div3A_393, %add3A_391 : vector<16xf32>
      %mul3A_395 = arith.mulf %exp3A_369, %div3A_394 : vector<16xf32>
      %add3A_396 = arith.addf %scan3A_155, %mul3A_395 : vector<16xf32>
      %eq3A_397 = arith.constant 0 : i32
      %eq3A_398 = vector.broadcast %eq3A_397 : i32 to vector<16xi32>
      %eq3A_399 = arith.cmpi eq, %select_n3A_240, %eq3A_398 : vector<16xi32>
      %jit3A_400 = arith.constant 1.000000e+00 : f32
      %jit3A_401 = arith.constant 0.000000e+00 : f32
      %broadcast_in_dim3A_402 = vector.broadcast %jit3A_400 : f32 to vector<16xf32>
      %broadcast_in_dim3A_403 = vector.broadcast %jit3A_401 : f32 to vector<16xf32>
      %select_n3A_404 = arith.select %eq3A_399, %broadcast_in_dim3A_402, %broadcast_in_dim3A_403 : vector<16xi1>, vector<16xf32>
      %eq3A_405 = arith.constant 0 : i32
      %eq3A_406 = vector.broadcast %eq3A_405 : i32 to vector<16xi32>
      %eq3A_407 = arith.cmpi eq, %select_n3A_362, %eq3A_406 : vector<16xi32>
      %jit3A_408 = arith.constant 1.000000e+00 : f32
      %jit3A_409 = arith.constant 0.000000e+00 : f32
      %broadcast_in_dim3A_410 = vector.broadcast %jit3A_408 : f32 to vector<16xf32>
      %broadcast_in_dim3A_411 = vector.broadcast %jit3A_409 : f32 to vector<16xf32>
      %select_n3A_412 = arith.select %eq3A_407, %broadcast_in_dim3A_410, %broadcast_in_dim3A_411 : vector<16xi1>, vector<16xf32>
      %add3A_413 = arith.addf %scan3A_147, %select_n3A_404 : vector<16xf32>
      %add3A_414 = arith.addf %add3A_413, %select_n3A_412 : vector<16xf32>
      %add3A_415 = arith.constant 0 : i32
      %add3A_416 = arith.addi %add3A_415, %mul3A_164 : i32
      %swap3A_417 = arith.index_cast %add3A_416 : i32 to index
      %swap3A_418 = tpu.vector_load %arg10[%swap3A_417] {strides = array<i32>} : memref<16384xf32, #tpu.memory_space<vmem>>, vector<16xf32>,
      %swap3A_419 = vector.shape_cast %swap3A_418 : vector<16xf32> to vector<16xf32>
      %swap3A_420 = vector.shape_cast %select_n3A_404 : vector<16xf32> to vector<16xf32>
      tpu.vector_store %arg10[%swap3A_417], %swap3A_420 {strides = array<i32>} : memref<16384xf32, #tpu.memory_space<vmem>>, vector<16xf32>,
      %add3A_421 = arith.constant 8192 : i32
      %add3A_422 = arith.addi %add3A_421, %mul3A_164 : i32
      %swap3A_423 = arith.index_cast %add3A_422 : i32 to index
      %swap3A_424 = tpu.vector_load %arg10[%swap3A_423] {strides = array<i32>} : memref<16384xf32, #tpu.memory_space<vmem>>, vector<16xf32>,
      %swap3A_425 = vector.shape_cast %swap3A_424 : vector<16xf32> to vector<16xf32>
      %swap3A_426 = vector.shape_cast %select_n3A_412 : vector<16xf32> to vector<16xf32>
      tpu.vector_store %arg10[%swap3A_423], %swap3A_426 {strides = array<i32>} : memref<16384xf32, #tpu.memory_space<vmem>>, vector<16xf32>,
      %mul3A_427 = arith.mulf %exp3A_372, %div3A_394 : vector<16xf32>
      %add3A_428 = arith.addf %scan3A_156, %mul3A_427 : vector<16xf32>
      %eq3A_429 = arith.constant 1 : i32
      %eq3A_430 = vector.broadcast %eq3A_429 : i32 to vector<16xi32>
      %eq3A_431 = arith.cmpi eq, %select_n3A_240, %eq3A_430 : vector<16xi32>
      %jit3A_432 = arith.constant 1.000000e+00 : f32
      %jit3A_433 = arith.constant 0.000000e+00 : f32
      %broadcast_in_dim3A_434 = vector.broadcast %jit3A_432 : f32 to vector<16xf32>
      %broadcast_in_dim3A_435 = vector.broadcast %jit3A_433 : f32 to vector<16xf32>
      %select_n3A_436 = arith.select %eq3A_431, %broadcast_in_dim3A_434, %broadcast_in_dim3A_435 : vector<16xi1>, vector<16xf32>
      %eq3A_437 = arith.constant 1 : i32
      %eq3A_438 = vector.broadcast %eq3A_437 : i32 to vector<16xi32>
      %eq3A_439 = arith.cmpi eq, %select_n3A_362, %eq3A_438 : vector<16xi32>
      %jit3A_440 = arith.constant 1.000000e+00 : f32
      %jit3A_441 = arith.constant 0.000000e+00 : f32
      %broadcast_in_dim3A_442 = vector.broadcast %jit3A_440 : f32 to vector<16xf32>
      %broadcast_in_dim3A_443 = vector.broadcast %jit3A_441 : f32 to vector<16xf32>
      %select_n3A_444 = arith.select %eq3A_439, %broadcast_in_dim3A_442, %broadcast_in_dim3A_443 : vector<16xi1>, vector<16xf32>
      %add3A_445 = arith.addf %scan3A_148, %select_n3A_436 : vector<16xf32>
      %add3A_446 = arith.addf %add3A_445, %select_n3A_444 : vector<16xf32>
      %add3A_447 = arith.constant 1024 : i32
      %add3A_448 = arith.addi %add3A_447, %mul3A_164 : i32
      %swap3A_449 = arith.index_cast %add3A_448 : i32 to index
      %swap3A_450 = tpu.vector_load %arg10[%swap3A_449] {strides = array<i32>} : memref<16384xf32, #tpu.memory_space<vmem>>, vector<16xf32>,
      %swap3A_451 = vector.shape_cast %swap3A_450 : vector<16xf32> to vector<16xf32>
      %swap3A_452 = vector.shape_cast %select_n3A_436 : vector<16xf32> to vector<16xf32>
      tpu.vector_store %arg10[%swap3A_449], %swap3A_452 {strides = array<i32>} : memref<16384xf32, #tpu.memory_space<vmem>>, vector<16xf32>,
      %add3A_453 = arith.constant 9216 : i32
      %add3A_454 = arith.addi %add3A_453, %mul3A_164 : i32
      %swap3A_455 = arith.index_cast %add3A_454 : i32 to index
      %swap3A_456 = tpu.vector_load %arg10[%swap3A_455] {strides = array<i32>} : memref<16384xf32, #tpu.memory_space<vmem>>, vector<16xf32>,
      %swap3A_457 = vector.shape_cast %swap3A_456 : vector<16xf32> to vector<16xf32>
      %swap3A_458 = vector.shape_cast %select_n3A_444 : vector<16xf32> to vector<16xf32>
      tpu.vector_store %arg10[%swap3A_455], %swap3A_458 {strides = array<i32>} : memref<16384xf32, #tpu.memory_space<vmem>>, vector<16xf32>,
      %mul3A_459 = arith.mulf %exp3A_375, %div3A_394 : vector<16xf32>
      %add3A_460 = arith.addf %scan3A_157, %mul3A_459 : vector<16xf32>
      %eq3A_461 = arith.constant 2 : i32
      %eq3A_462 = vector.broadcast %eq3A_461 : i32 to vector<16xi32>
      %eq3A_463 = arith.cmpi eq, %select_n3A_240, %eq3A_462 : vector<16xi32>
      %jit3A_464 = arith.constant 1.000000e+00 : f32
      %jit3A_465 = arith.constant 0.000000e+00 : f32
      %broadcast_in_dim3A_466 = vector.broadcast %jit3A_464 : f32 to vector<16xf32>
      %broadcast_in_dim3A_467 = vector.broadcast %jit3A_465 : f32 to vector<16xf32>
      %select_n3A_468 = arith.select %eq3A_463, %broadcast_in_dim3A_466, %broadcast_in_dim3A_467 : vector<16xi1>, vector<16xf32>
      %eq3A_469 = arith.constant 2 : i32
      %eq3A_470 = vector.broadcast %eq3A_469 : i32 to vector<16xi32>
      %eq3A_471 = arith.cmpi eq, %select_n3A_362, %eq3A_470 : vector<16xi32>
      %jit3A_472 = arith.constant 1.000000e+00 : f32
      %jit3A_473 = arith.constant 0.000000e+00 : f32
      %broadcast_in_dim3A_474 = vector.broadcast %jit3A_472 : f32 to vector<16xf32>
      %broadcast_in_dim3A_475 = vector.broadcast %jit3A_473 : f32 to vector<16xf32>
      %select_n3A_476 = arith.select %eq3A_471, %broadcast_in_dim3A_474, %broadcast_in_dim3A_475 : vector<16xi1>, vector<16xf32>
      %add3A_477 = arith.addf %scan3A_149, %select_n3A_468 : vector<16xf32>
      %add3A_478 = arith.addf %add3A_477, %select_n3A_476 : vector<16xf32>
      %add3A_479 = arith.constant 2048 : i32
      %add3A_480 = arith.addi %add3A_479, %mul3A_164 : i32
      %swap3A_481 = arith.index_cast %add3A_480 : i32 to index
      %swap3A_482 = tpu.vector_load %arg10[%swap3A_481] {strides = array<i32>} : memref<16384xf32, #tpu.memory_space<vmem>>, vector<16xf32>,
      %swap3A_483 = vector.shape_cast %swap3A_482 : vector<16xf32> to vector<16xf32>
      %swap3A_484 = vector.shape_cast %select_n3A_468 : vector<16xf32> to vector<16xf32>
      tpu.vector_store %arg10[%swap3A_481], %swap3A_484 {strides = array<i32>} : memref<16384xf32, #tpu.memory_space<vmem>>, vector<16xf32>,
      %add3A_485 = arith.constant 10240 : i32
      %add3A_486 = arith.addi %add3A_485, %mul3A_164 : i32
      %swap3A_487 = arith.index_cast %add3A_486 : i32 to index
      %swap3A_488 = tpu.vector_load %arg10[%swap3A_487] {strides = array<i32>} : memref<16384xf32, #tpu.memory_space<vmem>>, vector<16xf32>,
      %swap3A_489 = vector.shape_cast %swap3A_488 : vector<16xf32> to vector<16xf32>
      %swap3A_490 = vector.shape_cast %select_n3A_476 : vector<16xf32> to vector<16xf32>
      tpu.vector_store %arg10[%swap3A_487], %swap3A_490 {strides = array<i32>} : memref<16384xf32, #tpu.memory_space<vmem>>, vector<16xf32>,
      %mul3A_491 = arith.mulf %exp3A_378, %div3A_394 : vector<16xf32>
      %add3A_492 = arith.addf %scan3A_158, %mul3A_491 : vector<16xf32>
      %eq3A_493 = arith.constant 3 : i32
      %eq3A_494 = vector.broadcast %eq3A_493 : i32 to vector<16xi32>
      %eq3A_495 = arith.cmpi eq, %select_n3A_240, %eq3A_494 : vector<16xi32>
      %jit3A_496 = arith.constant 1.000000e+00 : f32
      %jit3A_497 = arith.constant 0.000000e+00 : f32
      %broadcast_in_dim3A_498 = vector.broadcast %jit3A_496 : f32 to vector<16xf32>
      %broadcast_in_dim3A_499 = vector.broadcast %jit3A_497 : f32 to vector<16xf32>
      %select_n3A_500 = arith.select %eq3A_495, %broadcast_in_dim3A_498, %broadcast_in_dim3A_499 : vector<16xi1>, vector<16xf32>
      %eq3A_501 = arith.constant 3 : i32
      %eq3A_502 = vector.broadcast %eq3A_501 : i32 to vector<16xi32>
      %eq3A_503 = arith.cmpi eq, %select_n3A_362, %eq3A_502 : vector<16xi32>
      %jit3A_504 = arith.constant 1.000000e+00 : f32
      %jit3A_505 = arith.constant 0.000000e+00 : f32
      %broadcast_in_dim3A_506 = vector.broadcast %jit3A_504 : f32 to vector<16xf32>
      %broadcast_in_dim3A_507 = vector.broadcast %jit3A_505 : f32 to vector<16xf32>
      %select_n3A_508 = arith.select %eq3A_503, %broadcast_in_dim3A_506, %broadcast_in_dim3A_507 : vector<16xi1>, vector<16xf32>
      %add3A_509 = arith.addf %scan3A_150, %select_n3A_500 : vector<16xf32>
      %add3A_510 = arith.addf %add3A_509, %select_n3A_508 : vector<16xf32>
      %add3A_511 = arith.constant 3072 : i32
      %add3A_512 = arith.addi %add3A_511, %mul3A_164 : i32
      %swap3A_513 = arith.index_cast %add3A_512 : i32 to index
      %swap3A_514 = tpu.vector_load %arg10[%swap3A_513] {strides = array<i32>} : memref<16384xf32, #tpu.memory_space<vmem>>, vector<16xf32>,
      %swap3A_515 = vector.shape_cast %swap3A_514 : vector<16xf32> to vector<16xf32>
      %swap3A_516 = vector.shape_cast %select_n3A_500 : vector<16xf32> to vector<16xf32>
      tpu.vector_store %arg10[%swap3A_513], %swap3A_516 {strides = array<i32>} : memref<16384xf32, #tpu.memory_space<vmem>>, vector<16xf32>,
      %add3A_517 = arith.constant 11264 : i32
      %add3A_518 = arith.addi %add3A_517, %mul3A_164 : i32
      %swap3A_519 = arith.index_cast %add3A_518 : i32 to index
      %swap3A_520 = tpu.vector_load %arg10[%swap3A_519] {strides = array<i32>} : memref<16384xf32, #tpu.memory_space<vmem>>, vector<16xf32>,
      %swap3A_521 = vector.shape_cast %swap3A_520 : vector<16xf32> to vector<16xf32>
      %swap3A_522 = vector.shape_cast %select_n3A_508 : vector<16xf32> to vector<16xf32>
      tpu.vector_store %arg10[%swap3A_519], %swap3A_522 {strides = array<i32>} : memref<16384xf32, #tpu.memory_space<vmem>>, vector<16xf32>,
      %mul3A_523 = arith.mulf %exp3A_381, %div3A_394 : vector<16xf32>
      %add3A_524 = arith.addf %scan3A_159, %mul3A_523 : vector<16xf32>
      %eq3A_525 = arith.constant 4 : i32
      %eq3A_526 = vector.broadcast %eq3A_525 : i32 to vector<16xi32>
      %eq3A_527 = arith.cmpi eq, %select_n3A_240, %eq3A_526 : vector<16xi32>
      %jit3A_528 = arith.constant 1.000000e+00 : f32
      %jit3A_529 = arith.constant 0.000000e+00 : f32
      %broadcast_in_dim3A_530 = vector.broadcast %jit3A_528 : f32 to vector<16xf32>
      %broadcast_in_dim3A_531 = vector.broadcast %jit3A_529 : f32 to vector<16xf32>
      %select_n3A_532 = arith.select %eq3A_527, %broadcast_in_dim3A_530, %broadcast_in_dim3A_531 : vector<16xi1>, vector<16xf32>
      %eq3A_533 = arith.constant 4 : i32
      %eq3A_534 = vector.broadcast %eq3A_533 : i32 to vector<16xi32>
      %eq3A_535 = arith.cmpi eq, %select_n3A_362, %eq3A_534 : vector<16xi32>
      %jit3A_536 = arith.constant 1.000000e+00 : f32
      %jit3A_537 = arith.constant 0.000000e+00 : f32
      %broadcast_in_dim3A_538 = vector.broadcast %jit3A_536 : f32 to vector<16xf32>
      %broadcast_in_dim3A_539 = vector.broadcast %jit3A_537 : f32 to vector<16xf32>
      %select_n3A_540 = arith.select %eq3A_535, %broadcast_in_dim3A_538, %broadcast_in_dim3A_539 : vector<16xi1>, vector<16xf32>
      %add3A_541 = arith.addf %scan3A_151, %select_n3A_532 : vector<16xf32>
      %add3A_542 = arith.addf %add3A_541, %select_n3A_540 : vector<16xf32>
      %add3A_543 = arith.constant 4096 : i32
      %add3A_544 = arith.addi %add3A_543, %mul3A_164 : i32
      %swap3A_545 = arith.index_cast %add3A_544 : i32 to index
      %swap3A_546 = tpu.vector_load %arg10[%swap3A_545] {strides = array<i32>} : memref<16384xf32, #tpu.memory_space<vmem>>, vector<16xf32>,
      %swap3A_547 = vector.shape_cast %swap3A_546 : vector<16xf32> to vector<16xf32>
      %swap3A_548 = vector.shape_cast %select_n3A_532 : vector<16xf32> to vector<16xf32>
      tpu.vector_store %arg10[%swap3A_545], %swap3A_548 {strides = array<i32>} : memref<16384xf32, #tpu.memory_space<vmem>>, vector<16xf32>,
      %add3A_549 = arith.constant 12288 : i32
      %add3A_550 = arith.addi %add3A_549, %mul3A_164 : i32
      %swap3A_551 = arith.index_cast %add3A_550 : i32 to index
      %swap3A_552 = tpu.vector_load %arg10[%swap3A_551] {strides = array<i32>} : memref<16384xf32, #tpu.memory_space<vmem>>, vector<16xf32>,
      %swap3A_553 = vector.shape_cast %swap3A_552 : vector<16xf32> to vector<16xf32>
      %swap3A_554 = vector.shape_cast %select_n3A_540 : vector<16xf32> to vector<16xf32>
      tpu.vector_store %arg10[%swap3A_551], %swap3A_554 {strides = array<i32>} : memref<16384xf32, #tpu.memory_space<vmem>>, vector<16xf32>,
      %mul3A_555 = arith.mulf %exp3A_384, %div3A_394 : vector<16xf32>
      %add3A_556 = arith.addf %scan3A_160, %mul3A_555 : vector<16xf32>
      %eq3A_557 = arith.constant 5 : i32
      %eq3A_558 = vector.broadcast %eq3A_557 : i32 to vector<16xi32>
      %eq3A_559 = arith.cmpi eq, %select_n3A_240, %eq3A_558 : vector<16xi32>
      %jit3A_560 = arith.constant 1.000000e+00 : f32
      %jit3A_561 = arith.constant 0.000000e+00 : f32
      %broadcast_in_dim3A_562 = vector.broadcast %jit3A_560 : f32 to vector<16xf32>
      %broadcast_in_dim3A_563 = vector.broadcast %jit3A_561 : f32 to vector<16xf32>
      %select_n3A_564 = arith.select %eq3A_559, %broadcast_in_dim3A_562, %broadcast_in_dim3A_563 : vector<16xi1>, vector<16xf32>
      %eq3A_565 = arith.constant 5 : i32
      %eq3A_566 = vector.broadcast %eq3A_565 : i32 to vector<16xi32>
      %eq3A_567 = arith.cmpi eq, %select_n3A_362, %eq3A_566 : vector<16xi32>
      %jit3A_568 = arith.constant 1.000000e+00 : f32
      %jit3A_569 = arith.constant 0.000000e+00 : f32
      %broadcast_in_dim3A_570 = vector.broadcast %jit3A_568 : f32 to vector<16xf32>
      %broadcast_in_dim3A_571 = vector.broadcast %jit3A_569 : f32 to vector<16xf32>
      %select_n3A_572 = arith.select %eq3A_567, %broadcast_in_dim3A_570, %broadcast_in_dim3A_571 : vector<16xi1>, vector<16xf32>
      %add3A_573 = arith.addf %scan3A_152, %select_n3A_564 : vector<16xf32>
      %add3A_574 = arith.addf %add3A_573, %select_n3A_572 : vector<16xf32>
      %add3A_575 = arith.constant 5120 : i32
      %add3A_576 = arith.addi %add3A_575, %mul3A_164 : i32
      %swap3A_577 = arith.index_cast %add3A_576 : i32 to index
      %swap3A_578 = tpu.vector_load %arg10[%swap3A_577] {strides = array<i32>} : memref<16384xf32, #tpu.memory_space<vmem>>, vector<16xf32>,
      %swap3A_579 = vector.shape_cast %swap3A_578 : vector<16xf32> to vector<16xf32>
      %swap3A_580 = vector.shape_cast %select_n3A_564 : vector<16xf32> to vector<16xf32>
      tpu.vector_store %arg10[%swap3A_577], %swap3A_580 {strides = array<i32>} : memref<16384xf32, #tpu.memory_space<vmem>>, vector<16xf32>,
      %add3A_581 = arith.constant 13312 : i32
      %add3A_582 = arith.addi %add3A_581, %mul3A_164 : i32
      %swap3A_583 = arith.index_cast %add3A_582 : i32 to index
      %swap3A_584 = tpu.vector_load %arg10[%swap3A_583] {strides = array<i32>} : memref<16384xf32, #tpu.memory_space<vmem>>, vector<16xf32>,
      %swap3A_585 = vector.shape_cast %swap3A_584 : vector<16xf32> to vector<16xf32>
      %swap3A_586 = vector.shape_cast %select_n3A_572 : vector<16xf32> to vector<16xf32>
      tpu.vector_store %arg10[%swap3A_583], %swap3A_586 {strides = array<i32>} : memref<16384xf32, #tpu.memory_space<vmem>>, vector<16xf32>,
      %mul3A_587 = arith.mulf %exp3A_387, %div3A_394 : vector<16xf32>
      %add3A_588 = arith.addf %scan3A_161, %mul3A_587 : vector<16xf32>
      %eq3A_589 = arith.constant 6 : i32
      %eq3A_590 = vector.broadcast %eq3A_589 : i32 to vector<16xi32>
      %eq3A_591 = arith.cmpi eq, %select_n3A_240, %eq3A_590 : vector<16xi32>
      %jit3A_592 = arith.constant 1.000000e+00 : f32
      %jit3A_593 = arith.constant 0.000000e+00 : f32
      %broadcast_in_dim3A_594 = vector.broadcast %jit3A_592 : f32 to vector<16xf32>
      %broadcast_in_dim3A_595 = vector.broadcast %jit3A_593 : f32 to vector<16xf32>
      %select_n3A_596 = arith.select %eq3A_591, %broadcast_in_dim3A_594, %broadcast_in_dim3A_595 : vector<16xi1>, vector<16xf32>
      %eq3A_597 = arith.constant 6 : i32
      %eq3A_598 = vector.broadcast %eq3A_597 : i32 to vector<16xi32>
      %eq3A_599 = arith.cmpi eq, %select_n3A_362, %eq3A_598 : vector<16xi32>
      %jit3A_600 = arith.constant 1.000000e+00 : f32
      %jit3A_601 = arith.constant 0.000000e+00 : f32
      %broadcast_in_dim3A_602 = vector.broadcast %jit3A_600 : f32 to vector<16xf32>
      %broadcast_in_dim3A_603 = vector.broadcast %jit3A_601 : f32 to vector<16xf32>
      %select_n3A_604 = arith.select %eq3A_599, %broadcast_in_dim3A_602, %broadcast_in_dim3A_603 : vector<16xi1>, vector<16xf32>
      %add3A_605 = arith.addf %scan3A_153, %select_n3A_596 : vector<16xf32>
      %add3A_606 = arith.addf %add3A_605, %select_n3A_604 : vector<16xf32>
      %add3A_607 = arith.constant 6144 : i32
      %add3A_608 = arith.addi %add3A_607, %mul3A_164 : i32
      %swap3A_609 = arith.index_cast %add3A_608 : i32 to index
      %swap3A_610 = tpu.vector_load %arg10[%swap3A_609] {strides = array<i32>} : memref<16384xf32, #tpu.memory_space<vmem>>, vector<16xf32>,
      %swap3A_611 = vector.shape_cast %swap3A_610 : vector<16xf32> to vector<16xf32>
      %swap3A_612 = vector.shape_cast %select_n3A_596 : vector<16xf32> to vector<16xf32>
      tpu.vector_store %arg10[%swap3A_609], %swap3A_612 {strides = array<i32>} : memref<16384xf32, #tpu.memory_space<vmem>>, vector<16xf32>,
      %add3A_613 = arith.constant 14336 : i32
      %add3A_614 = arith.addi %add3A_613, %mul3A_164 : i32
      %swap3A_615 = arith.index_cast %add3A_614 : i32 to index
      %swap3A_616 = tpu.vector_load %arg10[%swap3A_615] {strides = array<i32>} : memref<16384xf32, #tpu.memory_space<vmem>>, vector<16xf32>,
      %swap3A_617 = vector.shape_cast %swap3A_616 : vector<16xf32> to vector<16xf32>
      %swap3A_618 = vector.shape_cast %select_n3A_604 : vector<16xf32> to vector<16xf32>
      tpu.vector_store %arg10[%swap3A_615], %swap3A_618 {strides = array<i32>} : memref<16384xf32, #tpu.memory_space<vmem>>, vector<16xf32>,
      %mul3A_619 = arith.mulf %exp3A_390, %div3A_394 : vector<16xf32>
      %add3A_620 = arith.addf %scan3A_162, %mul3A_619 : vector<16xf32>
      %eq3A_621 = arith.constant 7 : i32
      %eq3A_622 = vector.broadcast %eq3A_621 : i32 to vector<16xi32>
      %eq3A_623 = arith.cmpi eq, %select_n3A_240, %eq3A_622 : vector<16xi32>
      %jit3A_624 = arith.constant 1.000000e+00 : f32
      %jit3A_625 = arith.constant 0.000000e+00 : f32
      %broadcast_in_dim3A_626 = vector.broadcast %jit3A_624 : f32 to vector<16xf32>
      %broadcast_in_dim3A_627 = vector.broadcast %jit3A_625 : f32 to vector<16xf32>
      %select_n3A_628 = arith.select %eq3A_623, %broadcast_in_dim3A_626, %broadcast_in_dim3A_627 : vector<16xi1>, vector<16xf32>
      %eq3A_629 = arith.constant 7 : i32
      %eq3A_630 = vector.broadcast %eq3A_629 : i32 to vector<16xi32>
      %eq3A_631 = arith.cmpi eq, %select_n3A_362, %eq3A_630 : vector<16xi32>
      %jit3A_632 = arith.constant 1.000000e+00 : f32
      %jit3A_633 = arith.constant 0.000000e+00 : f32
      %broadcast_in_dim3A_634 = vector.broadcast %jit3A_632 : f32 to vector<16xf32>
      %broadcast_in_dim3A_635 = vector.broadcast %jit3A_633 : f32 to vector<16xf32>
      %select_n3A_636 = arith.select %eq3A_631, %broadcast_in_dim3A_634, %broadcast_in_dim3A_635 : vector<16xi1>, vector<16xf32>
      %add3A_637 = arith.addf %scan3A_154, %select_n3A_628 : vector<16xf32>
      %add3A_638 = arith.addf %add3A_637, %select_n3A_636 : vector<16xf32>
      %add3A_639 = arith.constant 7168 : i32
      %add3A_640 = arith.addi %add3A_639, %mul3A_164 : i32
      %swap3A_641 = arith.index_cast %add3A_640 : i32 to index
      %swap3A_642 = tpu.vector_load %arg10[%swap3A_641] {strides = array<i32>} : memref<16384xf32, #tpu.memory_space<vmem>>, vector<16xf32>,
      %swap3A_643 = vector.shape_cast %swap3A_642 : vector<16xf32> to vector<16xf32>
      %swap3A_644 = vector.shape_cast %select_n3A_628 : vector<16xf32> to vector<16xf32>
      tpu.vector_store %arg10[%swap3A_641], %swap3A_644 {strides = array<i32>} : memref<16384xf32, #tpu.memory_space<vmem>>, vector<16xf32>,
      %add3A_645 = arith.constant 15360 : i32
      %add3A_646 = arith.addi %add3A_645, %mul3A_164 : i32
      %swap3A_647 = arith.index_cast %add3A_646 : i32 to index
      %swap3A_648 = tpu.vector_load %arg10[%swap3A_647] {strides = array<i32>} : memref<16384xf32, #tpu.memory_space<vmem>>, vector<16xf32>,
      %swap3A_649 = vector.shape_cast %swap3A_648 : vector<16xf32> to vector<16xf32>
      %swap3A_650 = vector.shape_cast %select_n3A_636 : vector<16xf32> to vector<16xf32>
      tpu.vector_store %arg10[%swap3A_647], %swap3A_650 {strides = array<i32>} : memref<16384xf32, #tpu.memory_space<vmem>>, vector<16xf32>,
      %swap3A_651 = arith.index_cast %mul3A_164 : i32 to index
      %swap3A_652 = tpu.vector_load %arg8[%swap3A_651] {strides = array<i32>} : memref<2048xi32, #tpu.memory_space<vmem>>, vector<16xi32>,
      %swap3A_653 = vector.shape_cast %swap3A_652 : vector<16xi32> to vector<16xi32>
      %swap3A_654 = vector.shape_cast %select_n3A_240 : vector<16xi32> to vector<16xi32>
      tpu.vector_store %arg8[%swap3A_651], %swap3A_654 {strides = array<i32>} : memref<2048xi32, #tpu.memory_space<vmem>>, vector<16xi32>,
      %add3A_655 = arith.constant 1024 : i32
      %add3A_656 = arith.addi %add3A_655, %mul3A_164 : i32
      %swap3A_657 = arith.index_cast %add3A_656 : i32 to index
      %swap3A_658 = tpu.vector_load %arg8[%swap3A_657] {strides = array<i32>} : memref<2048xi32, #tpu.memory_space<vmem>>, vector<16xi32>,
      %swap3A_659 = vector.shape_cast %swap3A_658 : vector<16xi32> to vector<16xi32>
      %swap3A_660 = vector.shape_cast %select_n3A_362 : vector<16xi32> to vector<16xi32>
      tpu.vector_store %arg8[%swap3A_657], %swap3A_660 {strides = array<i32>} : memref<2048xi32, #tpu.memory_space<vmem>>, vector<16xi32>,
      %swap3A_661 = arith.index_cast %mul3A_164 : i32 to index
      %swap3A_662 = tpu.vector_load %arg9[%swap3A_661] {strides = array<i32>} : memref<2048xf32, #tpu.memory_space<vmem>>, vector<16xf32>,
      %swap3A_663 = vector.shape_cast %swap3A_662 : vector<16xf32> to vector<16xf32>
      %swap3A_664 = vector.shape_cast %div3A_367 : vector<16xf32> to vector<16xf32>
      tpu.vector_store %arg9[%swap3A_661], %swap3A_664 {strides = array<i32>} : memref<2048xf32, #tpu.memory_space<vmem>>, vector<16xf32>,
      %sub3A_665 = arith.constant 1.000000e+00 : f32
      %sub3A_666 = vector.broadcast %sub3A_665 : f32 to vector<16xf32>
      %sub3A_667 = arith.subf %sub3A_666, %div3A_367 : vector<16xf32>
      %add3A_668 = arith.constant 1024 : i32
      %add3A_669 = arith.addi %add3A_668, %mul3A_164 : i32
      %swap3A_670 = arith.index_cast %add3A_669 : i32 to index
      %swap3A_671 = tpu.vector_load %arg9[%swap3A_670] {strides = array<i32>} : memref<2048xf32, #tpu.memory_space<vmem>>, vector<16xf32>,
      %swap3A_672 = vector.shape_cast %swap3A_671 : vector<16xf32> to vector<16xf32>
      %swap3A_673 = vector.shape_cast %sub3A_667 : vector<16xf32> to vector<16xf32>
      tpu.vector_store %arg9[%swap3A_670], %swap3A_673 {strides = array<i32>} : memref<2048xf32, #tpu.memory_space<vmem>>, vector<16xf32>,
      scf.yield %add3A_414, %add3A_446, %add3A_478, %add3A_510, %add3A_542, %add3A_574, %add3A_606, %add3A_638, %add3A_396, %add3A_428, %add3A_460, %add3A_492, %add3A_524, %add3A_556, %add3A_588, %add3A_620 : vector<16xf32>, vector<16xf32>, vector<16xf32>, vector<16xf32>, vector<16xf32>, vector<16xf32>, vector<16xf32>, vector<16xf32>, vector<16xf32>, vector<16xf32>, vector<16xf32>, vector<16xf32>, vector<16xf32>, vector<16xf32>, vector<16xf32>, vector<16xf32>
    }
    %scan3A_40 = arith.constant 64 : i32
    %swap3A = arith.constant 0 : index
    %swap3A_41 = tpu.vector_load %arg11[%swap3A] {strides = array<i32>} : memref<256xf32, #tpu.memory_space<vmem>>, vector<16xf32>,
    %swap3A_42 = vector.shape_cast %swap3A_41 : vector<16xf32> to vector<16xf32>
    %swap3A_43 = vector.shape_cast %scan3A_39#0 : vector<16xf32> to vector<16xf32>
    tpu.vector_store %arg11[%swap3A], %swap3A_43 {strides = array<i32>} : memref<256xf32, #tpu.memory_space<vmem>>, vector<16xf32>,
    %swap3A_44 = arith.constant 128 : index
    %swap3A_45 = tpu.vector_load %arg11[%swap3A_44] {strides = array<i32>} : memref<256xf32, #tpu.memory_space<vmem>>, vector<16xf32>,
    %swap3A_46 = vector.shape_cast %swap3A_45 : vector<16xf32> to vector<16xf32>
    %swap3A_47 = vector.shape_cast %scan3A_39#8 : vector<16xf32> to vector<16xf32>
    tpu.vector_store %arg11[%swap3A_44], %swap3A_47 {strides = array<i32>} : memref<256xf32, #tpu.memory_space<vmem>>, vector<16xf32>,
    %swap3A_48 = arith.constant 16 : index
    %swap3A_49 = tpu.vector_load %arg11[%swap3A_48] {strides = array<i32>} : memref<256xf32, #tpu.memory_space<vmem>>, vector<16xf32>,
    %swap3A_50 = vector.shape_cast %swap3A_49 : vector<16xf32> to vector<16xf32>
    %swap3A_51 = vector.shape_cast %scan3A_39#1 : vector<16xf32> to vector<16xf32>
    tpu.vector_store %arg11[%swap3A_48], %swap3A_51 {strides = array<i32>} : memref<256xf32, #tpu.memory_space<vmem>>, vector<16xf32>,
    %swap3A_52 = arith.constant 144 : index
    %swap3A_53 = tpu.vector_load %arg11[%swap3A_52] {strides = array<i32>} : memref<256xf32, #tpu.memory_space<vmem>>, vector<16xf32>,
    %swap3A_54 = vector.shape_cast %swap3A_53 : vector<16xf32> to vector<16xf32>
    %swap3A_55 = vector.shape_cast %scan3A_39#9 : vector<16xf32> to vector<16xf32>
    tpu.vector_store %arg11[%swap3A_52], %swap3A_55 {strides = array<i32>} : memref<256xf32, #tpu.memory_space<vmem>>, vector<16xf32>,
    %swap3A_56 = arith.constant 32 : index
    %swap3A_57 = tpu.vector_load %arg11[%swap3A_56] {strides = array<i32>} : memref<256xf32, #tpu.memory_space<vmem>>, vector<16xf32>,
    %swap3A_58 = vector.shape_cast %swap3A_57 : vector<16xf32> to vector<16xf32>
    %swap3A_59 = vector.shape_cast %scan3A_39#2 : vector<16xf32> to vector<16xf32>
    tpu.vector_store %arg11[%swap3A_56], %swap3A_59 {strides = array<i32>} : memref<256xf32, #tpu.memory_space<vmem>>, vector<16xf32>,
    %swap3A_60 = arith.constant 160 : index
    %swap3A_61 = tpu.vector_load %arg11[%swap3A_60] {strides = array<i32>} : memref<256xf32, #tpu.memory_space<vmem>>, vector<16xf32>,
    %swap3A_62 = vector.shape_cast %swap3A_61 : vector<16xf32> to vector<16xf32>
    %swap3A_63 = vector.shape_cast %scan3A_39#10 : vector<16xf32> to vector<16xf32>
    tpu.vector_store %arg11[%swap3A_60], %swap3A_63 {strides = array<i32>} : memref<256xf32, #tpu.memory_space<vmem>>, vector<16xf32>,
    %swap3A_64 = arith.constant 48 : index
    %swap3A_65 = tpu.vector_load %arg11[%swap3A_64] {strides = array<i32>} : memref<256xf32, #tpu.memory_space<vmem>>, vector<16xf32>,
    %swap3A_66 = vector.shape_cast %swap3A_65 : vector<16xf32> to vector<16xf32>
    %swap3A_67 = vector.shape_cast %scan3A_39#3 : vector<16xf32> to vector<16xf32>
    tpu.vector_store %arg11[%swap3A_64], %swap3A_67 {strides = array<i32>} : memref<256xf32, #tpu.memory_space<vmem>>, vector<16xf32>,
    %swap3A_68 = arith.constant 176 : index
    %swap3A_69 = tpu.vector_load %arg11[%swap3A_68] {strides = array<i32>} : memref<256xf32, #tpu.memory_space<vmem>>, vector<16xf32>,
    %swap3A_70 = vector.shape_cast %swap3A_69 : vector<16xf32> to vector<16xf32>
    %swap3A_71 = vector.shape_cast %scan3A_39#11 : vector<16xf32> to vector<16xf32>
    tpu.vector_store %arg11[%swap3A_68], %swap3A_71 {strides = array<i32>} : memref<256xf32, #tpu.memory_space<vmem>>, vector<16xf32>,
    %swap3A_72 = arith.constant 64 : index
    %swap3A_73 = tpu.vector_load %arg11[%swap3A_72] {strides = array<i32>} : memref<256xf32, #tpu.memory_space<vmem>>, vector<16xf32>,
    %swap3A_74 = vector.shape_cast %swap3A_73 : vector<16xf32> to vector<16xf32>
    %swap3A_75 = vector.shape_cast %scan3A_39#4 : vector<16xf32> to vector<16xf32>
    tpu.vector_store %arg11[%swap3A_72], %swap3A_75 {strides = array<i32>} : memref<256xf32, #tpu.memory_space<vmem>>, vector<16xf32>,
    %swap3A_76 = arith.constant 192 : index
    %swap3A_77 = tpu.vector_load %arg11[%swap3A_76] {strides = array<i32>} : memref<256xf32, #tpu.memory_space<vmem>>, vector<16xf32>,
    %swap3A_78 = vector.shape_cast %swap3A_77 : vector<16xf32> to vector<16xf32>
    %swap3A_79 = vector.shape_cast %scan3A_39#12 : vector<16xf32> to vector<16xf32>
    tpu.vector_store %arg11[%swap3A_76], %swap3A_79 {strides = array<i32>} : memref<256xf32, #tpu.memory_space<vmem>>, vector<16xf32>,
    %swap3A_80 = arith.constant 80 : index
    %swap3A_81 = tpu.vector_load %arg11[%swap3A_80] {strides = array<i32>} : memref<256xf32, #tpu.memory_space<vmem>>, vector<16xf32>,
    %swap3A_82 = vector.shape_cast %swap3A_81 : vector<16xf32> to vector<16xf32>
    %swap3A_83 = vector.shape_cast %scan3A_39#5 : vector<16xf32> to vector<16xf32>
    tpu.vector_store %arg11[%swap3A_80], %swap3A_83 {strides = array<i32>} : memref<256xf32, #tpu.memory_space<vmem>>, vector<16xf32>,
    %swap3A_84 = arith.constant 208 : index
    %swap3A_85 = tpu.vector_load %arg11[%swap3A_84] {strides = array<i32>} : memref<256xf32, #tpu.memory_space<vmem>>, vector<16xf32>,
    %swap3A_86 = vector.shape_cast %swap3A_85 : vector<16xf32> to vector<16xf32>
    %swap3A_87 = vector.shape_cast %scan3A_39#13 : vector<16xf32> to vector<16xf32>
    tpu.vector_store %arg11[%swap3A_84], %swap3A_87 {strides = array<i32>} : memref<256xf32, #tpu.memory_space<vmem>>, vector<16xf32>,
    %swap3A_88 = arith.constant 96 : index
    %swap3A_89 = tpu.vector_load %arg11[%swap3A_88] {strides = array<i32>} : memref<256xf32, #tpu.memory_space<vmem>>, vector<16xf32>,
    %swap3A_90 = vector.shape_cast %swap3A_89 : vector<16xf32> to vector<16xf32>
    %swap3A_91 = vector.shape_cast %scan3A_39#6 : vector<16xf32> to vector<16xf32>
    tpu.vector_store %arg11[%swap3A_88], %swap3A_91 {strides = array<i32>} : memref<256xf32, #tpu.memory_space<vmem>>, vector<16xf32>,
    %swap3A_92 = arith.constant 224 : index
    %swap3A_93 = tpu.vector_load %arg11[%swap3A_92] {strides = array<i32>} : memref<256xf32, #tpu.memory_space<vmem>>, vector<16xf32>,
    %swap3A_94 = vector.shape_cast %swap3A_93 : vector<16xf32> to vector<16xf32>
    %swap3A_95 = vector.shape_cast %scan3A_39#14 : vector<16xf32> to vector<16xf32>
    tpu.vector_store %arg11[%swap3A_92], %swap3A_95 {strides = array<i32>} : memref<256xf32, #tpu.memory_space<vmem>>, vector<16xf32>,
    %swap3A_96 = arith.constant 112 : index
    %swap3A_97 = tpu.vector_load %arg11[%swap3A_96] {strides = array<i32>} : memref<256xf32, #tpu.memory_space<vmem>>, vector<16xf32>,
    %swap3A_98 = vector.shape_cast %swap3A_97 : vector<16xf32> to vector<16xf32>
    %swap3A_99 = vector.shape_cast %scan3A_39#7 : vector<16xf32> to vector<16xf32>
    tpu.vector_store %arg11[%swap3A_96], %swap3A_99 {strides = array<i32>} : memref<256xf32, #tpu.memory_space<vmem>>, vector<16xf32>,
    %swap3A_100 = arith.constant 240 : index
    %swap3A_101 = tpu.vector_load %arg11[%swap3A_100] {strides = array<i32>} : memref<256xf32, #tpu.memory_space<vmem>>, vector<16xf32>,
    %swap3A_102 = vector.shape_cast %swap3A_101 : vector<16xf32> to vector<16xf32>
    %swap3A_103 = vector.shape_cast %scan3A_39#15 : vector<16xf32> to vector<16xf32>
    tpu.vector_store %arg11[%swap3A_100], %swap3A_103 {strides = array<i32>} : memref<256xf32, #tpu.memory_space<vmem>>, vector<16xf32>,
    %add3A_104 = arith.constant 0 : i32
    %add3A_105 = arith.addi %add3A_104, %mul3A_2 : i32
    "tpu.region"() ({
      %run_scoped3A = tpu.sem_alloc : memref<!tpu.dma_semaphore, #tpu.memory_space<semaphore_mem>>
      %dma_start3A = arith.constant 0 : i32
      %dma_start3A_146 = tpu.memref_slice %arg8[%dma_start3A] : memref<2048xi32, #tpu.memory_space<vmem>> -> memref<1024xi32, #tpu.memory_space<vmem>>
      %dma_start3A_147 = tpu.memref_slice %arg3[%add3A_105] : memref<65536xi32, #tpu.memory_space<hbm>> -> memref<1024xi32, #tpu.memory_space<hbm>>
      %dma_start3A_148 = tpu.memref_slice %arg3[%add3A_105] : memref<65536xi32, #tpu.memory_space<hbm>> -> memref<1024xi32, #tpu.memory_space<hbm>>
      %dma_start3A_149 = arith.constant 0 : i32
      %dma_start3A_150 = tpu.memref_slice %arg8[%dma_start3A_149] : memref<2048xi32, #tpu.memory_space<vmem>> -> memref<1024xi32, #tpu.memory_space<vmem>>
      tpu.enqueue_dma source(%dma_start3A_150 : memref<1024xi32, #tpu.memory_space<vmem>>) target(%dma_start3A_148 : memref<1024xi32, #tpu.memory_space<hbm>>) target_semaphore(%run_scoped3A : memref<!tpu.dma_semaphore, #tpu.memory_space<semaphore_mem>>)
      %dma_wait3A = arith.constant 0 : i32
      %dma_wait3A_151 = tpu.memref_slice %arg8[%dma_wait3A] : memref<2048xi32, #tpu.memory_space<vmem>> -> memref<1024xi32, #tpu.memory_space<vmem>>
      %dma_wait3A_152 = tpu.memref_slice %arg3[%add3A_105] : memref<65536xi32, #tpu.memory_space<hbm>> -> memref<1024xi32, #tpu.memory_space<hbm>>
      %dma_wait3A_153 = tpu.memref_slice %arg3[%add3A_105] : memref<65536xi32, #tpu.memory_space<hbm>> -> memref<1024xi32, #tpu.memory_space<hbm>>
      %dma_wait3A_154 = arith.constant 0 : i32
      %dma_wait3A_155 = tpu.memref_slice %arg8[%dma_wait3A_154] : memref<2048xi32, #tpu.memory_space<vmem>> -> memref<1024xi32, #tpu.memory_space<vmem>>
      tpu.wait_dma2 semaphore(%run_scoped3A : memref<!tpu.dma_semaphore, #tpu.memory_space<semaphore_mem>>) src(%dma_wait3A_155 : memref<1024xi32, #tpu.memory_space<vmem>>) dst(%dma_wait3A_153 : memref<1024xi32, #tpu.memory_space<hbm>>)
      tpu.yield
    }) : () -> ()
    %add3A_106 = arith.constant 0 : i32
    %add3A_107 = arith.addi %add3A_106, %mul3A_2 : i32
    "tpu.region"() ({
      %run_scoped3A = tpu.sem_alloc : memref<!tpu.dma_semaphore, #tpu.memory_space<semaphore_mem>>
      %dma_start3A = arith.constant 0 : i32
      %dma_start3A_146 = tpu.memref_slice %arg9[%dma_start3A] : memref<2048xf32, #tpu.memory_space<vmem>> -> memref<1024xf32, #tpu.memory_space<vmem>>
      %dma_start3A_147 = tpu.memref_slice %arg4[%add3A_107] : memref<65536xf32, #tpu.memory_space<hbm>> -> memref<1024xf32, #tpu.memory_space<hbm>>
      %dma_start3A_148 = tpu.memref_slice %arg4[%add3A_107] : memref<65536xf32, #tpu.memory_space<hbm>> -> memref<1024xf32, #tpu.memory_space<hbm>>
      %dma_start3A_149 = arith.constant 0 : i32
      %dma_start3A_150 = tpu.memref_slice %arg9[%dma_start3A_149] : memref<2048xf32, #tpu.memory_space<vmem>> -> memref<1024xf32, #tpu.memory_space<vmem>>
      tpu.enqueue_dma source(%dma_start3A_150 : memref<1024xf32, #tpu.memory_space<vmem>>) target(%dma_start3A_148 : memref<1024xf32, #tpu.memory_space<hbm>>) target_semaphore(%run_scoped3A : memref<!tpu.dma_semaphore, #tpu.memory_space<semaphore_mem>>)
      %dma_wait3A = arith.constant 0 : i32
      %dma_wait3A_151 = tpu.memref_slice %arg9[%dma_wait3A] : memref<2048xf32, #tpu.memory_space<vmem>> -> memref<1024xf32, #tpu.memory_space<vmem>>
      %dma_wait3A_152 = tpu.memref_slice %arg4[%add3A_107] : memref<65536xf32, #tpu.memory_space<hbm>> -> memref<1024xf32, #tpu.memory_space<hbm>>
      %dma_wait3A_153 = tpu.memref_slice %arg4[%add3A_107] : memref<65536xf32, #tpu.memory_space<hbm>> -> memref<1024xf32, #tpu.memory_space<hbm>>
      %dma_wait3A_154 = arith.constant 0 : i32
      %dma_wait3A_155 = tpu.memref_slice %arg9[%dma_wait3A_154] : memref<2048xf32, #tpu.memory_space<vmem>> -> memref<1024xf32, #tpu.memory_space<vmem>>
      tpu.wait_dma2 semaphore(%run_scoped3A : memref<!tpu.dma_semaphore, #tpu.memory_space<semaphore_mem>>) src(%dma_wait3A_155 : memref<1024xf32, #tpu.memory_space<vmem>>) dst(%dma_wait3A_153 : memref<1024xf32, #tpu.memory_space<hbm>>)
      tpu.yield
    }) : () -> ()
    %add3A_108 = arith.constant 32768 : i32
    %add3A_109 = arith.addi %add3A_108, %mul3A_2 : i32
    "tpu.region"() ({
      %run_scoped3A = tpu.sem_alloc : memref<!tpu.dma_semaphore, #tpu.memory_space<semaphore_mem>>
      %dma_start3A = arith.constant 1024 : i32
      %dma_start3A_146 = tpu.memref_slice %arg8[%dma_start3A] : memref<2048xi32, #tpu.memory_space<vmem>> -> memref<1024xi32, #tpu.memory_space<vmem>>
      %dma_start3A_147 = tpu.memref_slice %arg3[%add3A_109] : memref<65536xi32, #tpu.memory_space<hbm>> -> memref<1024xi32, #tpu.memory_space<hbm>>
      %dma_start3A_148 = tpu.memref_slice %arg3[%add3A_109] : memref<65536xi32, #tpu.memory_space<hbm>> -> memref<1024xi32, #tpu.memory_space<hbm>>
      %dma_start3A_149 = arith.constant 1024 : i32
      %dma_start3A_150 = tpu.memref_slice %arg8[%dma_start3A_149] : memref<2048xi32, #tpu.memory_space<vmem>> -> memref<1024xi32, #tpu.memory_space<vmem>>
      tpu.enqueue_dma source(%dma_start3A_150 : memref<1024xi32, #tpu.memory_space<vmem>>) target(%dma_start3A_148 : memref<1024xi32, #tpu.memory_space<hbm>>) target_semaphore(%run_scoped3A : memref<!tpu.dma_semaphore, #tpu.memory_space<semaphore_mem>>)
      %dma_wait3A = arith.constant 1024 : i32
      %dma_wait3A_151 = tpu.memref_slice %arg8[%dma_wait3A] : memref<2048xi32, #tpu.memory_space<vmem>> -> memref<1024xi32, #tpu.memory_space<vmem>>
      %dma_wait3A_152 = tpu.memref_slice %arg3[%add3A_109] : memref<65536xi32, #tpu.memory_space<hbm>> -> memref<1024xi32, #tpu.memory_space<hbm>>
      %dma_wait3A_153 = tpu.memref_slice %arg3[%add3A_109] : memref<65536xi32, #tpu.memory_space<hbm>> -> memref<1024xi32, #tpu.memory_space<hbm>>
      %dma_wait3A_154 = arith.constant 1024 : i32
      %dma_wait3A_155 = tpu.memref_slice %arg8[%dma_wait3A_154] : memref<2048xi32, #tpu.memory_space<vmem>> -> memref<1024xi32, #tpu.memory_space<vmem>>
      tpu.wait_dma2 semaphore(%run_scoped3A : memref<!tpu.dma_semaphore, #tpu.memory_space<semaphore_mem>>) src(%dma_wait3A_155 : memref<1024xi32, #tpu.memory_space<vmem>>) dst(%dma_wait3A_153 : memref<1024xi32, #tpu.memory_space<hbm>>)
      tpu.yield
    }) : () -> ()
    %add3A_110 = arith.constant 32768 : i32
    %add3A_111 = arith.addi %add3A_110, %mul3A_2 : i32
    "tpu.region"() ({
      %run_scoped3A = tpu.sem_alloc : memref<!tpu.dma_semaphore, #tpu.memory_space<semaphore_mem>>
      %dma_start3A = arith.constant 1024 : i32
      %dma_start3A_146 = tpu.memref_slice %arg9[%dma_start3A] : memref<2048xf32, #tpu.memory_space<vmem>> -> memref<1024xf32, #tpu.memory_space<vmem>>
      %dma_start3A_147 = tpu.memref_slice %arg4[%add3A_111] : memref<65536xf32, #tpu.memory_space<hbm>> -> memref<1024xf32, #tpu.memory_space<hbm>>
      %dma_start3A_148 = tpu.memref_slice %arg4[%add3A_111] : memref<65536xf32, #tpu.memory_space<hbm>> -> memref<1024xf32, #tpu.memory_space<hbm>>
      %dma_start3A_149 = arith.constant 1024 : i32
      %dma_start3A_150 = tpu.memref_slice %arg9[%dma_start3A_149] : memref<2048xf32, #tpu.memory_space<vmem>> -> memref<1024xf32, #tpu.memory_space<vmem>>
      tpu.enqueue_dma source(%dma_start3A_150 : memref<1024xf32, #tpu.memory_space<vmem>>) target(%dma_start3A_148 : memref<1024xf32, #tpu.memory_space<hbm>>) target_semaphore(%run_scoped3A : memref<!tpu.dma_semaphore, #tpu.memory_space<semaphore_mem>>)
      %dma_wait3A = arith.constant 1024 : i32
      %dma_wait3A_151 = tpu.memref_slice %arg9[%dma_wait3A] : memref<2048xf32, #tpu.memory_space<vmem>> -> memref<1024xf32, #tpu.memory_space<vmem>>
      %dma_wait3A_152 = tpu.memref_slice %arg4[%add3A_111] : memref<65536xf32, #tpu.memory_space<hbm>> -> memref<1024xf32, #tpu.memory_space<hbm>>
      %dma_wait3A_153 = tpu.memref_slice %arg4[%add3A_111] : memref<65536xf32, #tpu.memory_space<hbm>> -> memref<1024xf32, #tpu.memory_space<hbm>>
      %dma_wait3A_154 = arith.constant 1024 : i32
      %dma_wait3A_155 = tpu.memref_slice %arg9[%dma_wait3A_154] : memref<2048xf32, #tpu.memory_space<vmem>> -> memref<1024xf32, #tpu.memory_space<vmem>>
      tpu.wait_dma2 semaphore(%run_scoped3A : memref<!tpu.dma_semaphore, #tpu.memory_space<semaphore_mem>>) src(%dma_wait3A_155 : memref<1024xf32, #tpu.memory_space<vmem>>) dst(%dma_wait3A_153 : memref<1024xf32, #tpu.memory_space<hbm>>)
      tpu.yield
    }) : () -> ()
    %add3A_112 = arith.constant 0 : i32
    %add3A_113 = arith.addi %add3A_112, %mul3A_2 : i32
    "tpu.region"() ({
      %run_scoped3A = tpu.sem_alloc : memref<!tpu.dma_semaphore, #tpu.memory_space<semaphore_mem>>
      %dma_start3A = arith.constant 0 : i32
      %dma_start3A_146 = tpu.memref_slice %arg10[%dma_start3A] : memref<16384xf32, #tpu.memory_space<vmem>> -> memref<1024xf32, #tpu.memory_space<vmem>>
      %dma_start3A_147 = tpu.memref_slice %arg5[%add3A_113] : memref<524288xf32, #tpu.memory_space<hbm>> -> memref<1024xf32, #tpu.memory_space<hbm>>
      %dma_start3A_148 = tpu.memref_slice %arg5[%add3A_113] : memref<524288xf32, #tpu.memory_space<hbm>> -> memref<1024xf32, #tpu.memory_space<hbm>>
      %dma_start3A_149 = arith.constant 0 : i32
      %dma_start3A_150 = tpu.memref_slice %arg10[%dma_start3A_149] : memref<16384xf32, #tpu.memory_space<vmem>> -> memref<1024xf32, #tpu.memory_space<vmem>>
      tpu.enqueue_dma source(%dma_start3A_150 : memref<1024xf32, #tpu.memory_space<vmem>>) target(%dma_start3A_148 : memref<1024xf32, #tpu.memory_space<hbm>>) target_semaphore(%run_scoped3A : memref<!tpu.dma_semaphore, #tpu.memory_space<semaphore_mem>>)
      %dma_wait3A = arith.constant 0 : i32
      %dma_wait3A_151 = tpu.memref_slice %arg10[%dma_wait3A] : memref<16384xf32, #tpu.memory_space<vmem>> -> memref<1024xf32, #tpu.memory_space<vmem>>
      %dma_wait3A_152 = tpu.memref_slice %arg5[%add3A_113] : memref<524288xf32, #tpu.memory_space<hbm>> -> memref<1024xf32, #tpu.memory_space<hbm>>
      %dma_wait3A_153 = tpu.memref_slice %arg5[%add3A_113] : memref<524288xf32, #tpu.memory_space<hbm>> -> memref<1024xf32, #tpu.memory_space<hbm>>
      %dma_wait3A_154 = arith.constant 0 : i32
      %dma_wait3A_155 = tpu.memref_slice %arg10[%dma_wait3A_154] : memref<16384xf32, #tpu.memory_space<vmem>> -> memref<1024xf32, #tpu.memory_space<vmem>>
      tpu.wait_dma2 semaphore(%run_scoped3A : memref<!tpu.dma_semaphore, #tpu.memory_space<semaphore_mem>>) src(%dma_wait3A_155 : memref<1024xf32, #tpu.memory_space<vmem>>) dst(%dma_wait3A_153 : memref<1024xf32, #tpu.memory_space<hbm>>)
      tpu.yield
    }) : () -> ()
    %add3A_114 = arith.constant 32768 : i32
    %add3A_115 = arith.addi %add3A_114, %mul3A_2 : i32
    "tpu.region"() ({
      %run_scoped3A = tpu.sem_alloc : memref<!tpu.dma_semaphore, #tpu.memory_space<semaphore_mem>>
      %dma_start3A = arith.constant 1024 : i32
      %dma_start3A_146 = tpu.memref_slice %arg10[%dma_start3A] : memref<16384xf32, #tpu.memory_space<vmem>> -> memref<1024xf32, #tpu.memory_space<vmem>>
      %dma_start3A_147 = tpu.memref_slice %arg5[%add3A_115] : memref<524288xf32, #tpu.memory_space<hbm>> -> memref<1024xf32, #tpu.memory_space<hbm>>
      %dma_start3A_148 = tpu.memref_slice %arg5[%add3A_115] : memref<524288xf32, #tpu.memory_space<hbm>> -> memref<1024xf32, #tpu.memory_space<hbm>>
      %dma_start3A_149 = arith.constant 1024 : i32
      %dma_start3A_150 = tpu.memref_slice %arg10[%dma_start3A_149] : memref<16384xf32, #tpu.memory_space<vmem>> -> memref<1024xf32, #tpu.memory_space<vmem>>
      tpu.enqueue_dma source(%dma_start3A_150 : memref<1024xf32, #tpu.memory_space<vmem>>) target(%dma_start3A_148 : memref<1024xf32, #tpu.memory_space<hbm>>) target_semaphore(%run_scoped3A : memref<!tpu.dma_semaphore, #tpu.memory_space<semaphore_mem>>)
      %dma_wait3A = arith.constant 1024 : i32
      %dma_wait3A_151 = tpu.memref_slice %arg10[%dma_wait3A] : memref<16384xf32, #tpu.memory_space<vmem>> -> memref<1024xf32, #tpu.memory_space<vmem>>
      %dma_wait3A_152 = tpu.memref_slice %arg5[%add3A_115] : memref<524288xf32, #tpu.memory_space<hbm>> -> memref<1024xf32, #tpu.memory_space<hbm>>
      %dma_wait3A_153 = tpu.memref_slice %arg5[%add3A_115] : memref<524288xf32, #tpu.memory_space<hbm>> -> memref<1024xf32, #tpu.memory_space<hbm>>
      %dma_wait3A_154 = arith.constant 1024 : i32
      %dma_wait3A_155 = tpu.memref_slice %arg10[%dma_wait3A_154] : memref<16384xf32, #tpu.memory_space<vmem>> -> memref<1024xf32, #tpu.memory_space<vmem>>
      tpu.wait_dma2 semaphore(%run_scoped3A : memref<!tpu.dma_semaphore, #tpu.memory_space<semaphore_mem>>) src(%dma_wait3A_155 : memref<1024xf32, #tpu.memory_space<vmem>>) dst(%dma_wait3A_153 : memref<1024xf32, #tpu.memory_space<hbm>>)
      tpu.yield
    }) : () -> ()
    %add3A_116 = arith.constant 65536 : i32
    %add3A_117 = arith.addi %add3A_116, %mul3A_2 : i32
    "tpu.region"() ({
      %run_scoped3A = tpu.sem_alloc : memref<!tpu.dma_semaphore, #tpu.memory_space<semaphore_mem>>
      %dma_start3A = arith.constant 2048 : i32
      %dma_start3A_146 = tpu.memref_slice %arg10[%dma_start3A] : memref<16384xf32, #tpu.memory_space<vmem>> -> memref<1024xf32, #tpu.memory_space<vmem>>
      %dma_start3A_147 = tpu.memref_slice %arg5[%add3A_117] : memref<524288xf32, #tpu.memory_space<hbm>> -> memref<1024xf32, #tpu.memory_space<hbm>>
      %dma_start3A_148 = tpu.memref_slice %arg5[%add3A_117] : memref<524288xf32, #tpu.memory_space<hbm>> -> memref<1024xf32, #tpu.memory_space<hbm>>
      %dma_start3A_149 = arith.constant 2048 : i32
      %dma_start3A_150 = tpu.memref_slice %arg10[%dma_start3A_149] : memref<16384xf32, #tpu.memory_space<vmem>> -> memref<1024xf32, #tpu.memory_space<vmem>>
      tpu.enqueue_dma source(%dma_start3A_150 : memref<1024xf32, #tpu.memory_space<vmem>>) target(%dma_start3A_148 : memref<1024xf32, #tpu.memory_space<hbm>>) target_semaphore(%run_scoped3A : memref<!tpu.dma_semaphore, #tpu.memory_space<semaphore_mem>>)
      %dma_wait3A = arith.constant 2048 : i32
      %dma_wait3A_151 = tpu.memref_slice %arg10[%dma_wait3A] : memref<16384xf32, #tpu.memory_space<vmem>> -> memref<1024xf32, #tpu.memory_space<vmem>>
      %dma_wait3A_152 = tpu.memref_slice %arg5[%add3A_117] : memref<524288xf32, #tpu.memory_space<hbm>> -> memref<1024xf32, #tpu.memory_space<hbm>>
      %dma_wait3A_153 = tpu.memref_slice %arg5[%add3A_117] : memref<524288xf32, #tpu.memory_space<hbm>> -> memref<1024xf32, #tpu.memory_space<hbm>>
      %dma_wait3A_154 = arith.constant 2048 : i32
      %dma_wait3A_155 = tpu.memref_slice %arg10[%dma_wait3A_154] : memref<16384xf32, #tpu.memory_space<vmem>> -> memref<1024xf32, #tpu.memory_space<vmem>>
      tpu.wait_dma2 semaphore(%run_scoped3A : memref<!tpu.dma_semaphore, #tpu.memory_space<semaphore_mem>>) src(%dma_wait3A_155 : memref<1024xf32, #tpu.memory_space<vmem>>) dst(%dma_wait3A_153 : memref<1024xf32, #tpu.memory_space<hbm>>)
      tpu.yield
    }) : () -> ()
    %add3A_118 = arith.constant 98304 : i32
    %add3A_119 = arith.addi %add3A_118, %mul3A_2 : i32
    "tpu.region"() ({
      %run_scoped3A = tpu.sem_alloc : memref<!tpu.dma_semaphore, #tpu.memory_space<semaphore_mem>>
      %dma_start3A = arith.constant 3072 : i32
      %dma_start3A_146 = tpu.memref_slice %arg10[%dma_start3A] : memref<16384xf32, #tpu.memory_space<vmem>> -> memref<1024xf32, #tpu.memory_space<vmem>>
      %dma_start3A_147 = tpu.memref_slice %arg5[%add3A_119] : memref<524288xf32, #tpu.memory_space<hbm>> -> memref<1024xf32, #tpu.memory_space<hbm>>
      %dma_start3A_148 = tpu.memref_slice %arg5[%add3A_119] : memref<524288xf32, #tpu.memory_space<hbm>> -> memref<1024xf32, #tpu.memory_space<hbm>>
      %dma_start3A_149 = arith.constant 3072 : i32
      %dma_start3A_150 = tpu.memref_slice %arg10[%dma_start3A_149] : memref<16384xf32, #tpu.memory_space<vmem>> -> memref<1024xf32, #tpu.memory_space<vmem>>
      tpu.enqueue_dma source(%dma_start3A_150 : memref<1024xf32, #tpu.memory_space<vmem>>) target(%dma_start3A_148 : memref<1024xf32, #tpu.memory_space<hbm>>) target_semaphore(%run_scoped3A : memref<!tpu.dma_semaphore, #tpu.memory_space<semaphore_mem>>)
      %dma_wait3A = arith.constant 3072 : i32
      %dma_wait3A_151 = tpu.memref_slice %arg10[%dma_wait3A] : memref<16384xf32, #tpu.memory_space<vmem>> -> memref<1024xf32, #tpu.memory_space<vmem>>
      %dma_wait3A_152 = tpu.memref_slice %arg5[%add3A_119] : memref<524288xf32, #tpu.memory_space<hbm>> -> memref<1024xf32, #tpu.memory_space<hbm>>
      %dma_wait3A_153 = tpu.memref_slice %arg5[%add3A_119] : memref<524288xf32, #tpu.memory_space<hbm>> -> memref<1024xf32, #tpu.memory_space<hbm>>
      %dma_wait3A_154 = arith.constant 3072 : i32
      %dma_wait3A_155 = tpu.memref_slice %arg10[%dma_wait3A_154] : memref<16384xf32, #tpu.memory_space<vmem>> -> memref<1024xf32, #tpu.memory_space<vmem>>
      tpu.wait_dma2 semaphore(%run_scoped3A : memref<!tpu.dma_semaphore, #tpu.memory_space<semaphore_mem>>) src(%dma_wait3A_155 : memref<1024xf32, #tpu.memory_space<vmem>>) dst(%dma_wait3A_153 : memref<1024xf32, #tpu.memory_space<hbm>>)
      tpu.yield
    }) : () -> ()
    %add3A_120 = arith.constant 131072 : i32
    %add3A_121 = arith.addi %add3A_120, %mul3A_2 : i32
    "tpu.region"() ({
      %run_scoped3A = tpu.sem_alloc : memref<!tpu.dma_semaphore, #tpu.memory_space<semaphore_mem>>
      %dma_start3A = arith.constant 4096 : i32
      %dma_start3A_146 = tpu.memref_slice %arg10[%dma_start3A] : memref<16384xf32, #tpu.memory_space<vmem>> -> memref<1024xf32, #tpu.memory_space<vmem>>
      %dma_start3A_147 = tpu.memref_slice %arg5[%add3A_121] : memref<524288xf32, #tpu.memory_space<hbm>> -> memref<1024xf32, #tpu.memory_space<hbm>>
      %dma_start3A_148 = tpu.memref_slice %arg5[%add3A_121] : memref<524288xf32, #tpu.memory_space<hbm>> -> memref<1024xf32, #tpu.memory_space<hbm>>
      %dma_start3A_149 = arith.constant 4096 : i32
      %dma_start3A_150 = tpu.memref_slice %arg10[%dma_start3A_149] : memref<16384xf32, #tpu.memory_space<vmem>> -> memref<1024xf32, #tpu.memory_space<vmem>>
      tpu.enqueue_dma source(%dma_start3A_150 : memref<1024xf32, #tpu.memory_space<vmem>>) target(%dma_start3A_148 : memref<1024xf32, #tpu.memory_space<hbm>>) target_semaphore(%run_scoped3A : memref<!tpu.dma_semaphore, #tpu.memory_space<semaphore_mem>>)
      %dma_wait3A = arith.constant 4096 : i32
      %dma_wait3A_151 = tpu.memref_slice %arg10[%dma_wait3A] : memref<16384xf32, #tpu.memory_space<vmem>> -> memref<1024xf32, #tpu.memory_space<vmem>>
      %dma_wait3A_152 = tpu.memref_slice %arg5[%add3A_121] : memref<524288xf32, #tpu.memory_space<hbm>> -> memref<1024xf32, #tpu.memory_space<hbm>>
      %dma_wait3A_153 = tpu.memref_slice %arg5[%add3A_121] : memref<524288xf32, #tpu.memory_space<hbm>> -> memref<1024xf32, #tpu.memory_space<hbm>>
      %dma_wait3A_154 = arith.constant 4096 : i32
      %dma_wait3A_155 = tpu.memref_slice %arg10[%dma_wait3A_154] : memref<16384xf32, #tpu.memory_space<vmem>> -> memref<1024xf32, #tpu.memory_space<vmem>>
      tpu.wait_dma2 semaphore(%run_scoped3A : memref<!tpu.dma_semaphore, #tpu.memory_space<semaphore_mem>>) src(%dma_wait3A_155 : memref<1024xf32, #tpu.memory_space<vmem>>) dst(%dma_wait3A_153 : memref<1024xf32, #tpu.memory_space<hbm>>)
      tpu.yield
    }) : () -> ()
    %add3A_122 = arith.constant 163840 : i32
    %add3A_123 = arith.addi %add3A_122, %mul3A_2 : i32
    "tpu.region"() ({
      %run_scoped3A = tpu.sem_alloc : memref<!tpu.dma_semaphore, #tpu.memory_space<semaphore_mem>>
      %dma_start3A = arith.constant 5120 : i32
      %dma_start3A_146 = tpu.memref_slice %arg10[%dma_start3A] : memref<16384xf32, #tpu.memory_space<vmem>> -> memref<1024xf32, #tpu.memory_space<vmem>>
      %dma_start3A_147 = tpu.memref_slice %arg5[%add3A_123] : memref<524288xf32, #tpu.memory_space<hbm>> -> memref<1024xf32, #tpu.memory_space<hbm>>
      %dma_start3A_148 = tpu.memref_slice %arg5[%add3A_123] : memref<524288xf32, #tpu.memory_space<hbm>> -> memref<1024xf32, #tpu.memory_space<hbm>>
      %dma_start3A_149 = arith.constant 5120 : i32
      %dma_start3A_150 = tpu.memref_slice %arg10[%dma_start3A_149] : memref<16384xf32, #tpu.memory_space<vmem>> -> memref<1024xf32, #tpu.memory_space<vmem>>
      tpu.enqueue_dma source(%dma_start3A_150 : memref<1024xf32, #tpu.memory_space<vmem>>) target(%dma_start3A_148 : memref<1024xf32, #tpu.memory_space<hbm>>) target_semaphore(%run_scoped3A : memref<!tpu.dma_semaphore, #tpu.memory_space<semaphore_mem>>)
      %dma_wait3A = arith.constant 5120 : i32
      %dma_wait3A_151 = tpu.memref_slice %arg10[%dma_wait3A] : memref<16384xf32, #tpu.memory_space<vmem>> -> memref<1024xf32, #tpu.memory_space<vmem>>
      %dma_wait3A_152 = tpu.memref_slice %arg5[%add3A_123] : memref<524288xf32, #tpu.memory_space<hbm>> -> memref<1024xf32, #tpu.memory_space<hbm>>
      %dma_wait3A_153 = tpu.memref_slice %arg5[%add3A_123] : memref<524288xf32, #tpu.memory_space<hbm>> -> memref<1024xf32, #tpu.memory_space<hbm>>
      %dma_wait3A_154 = arith.constant 5120 : i32
      %dma_wait3A_155 = tpu.memref_slice %arg10[%dma_wait3A_154] : memref<16384xf32, #tpu.memory_space<vmem>> -> memref<1024xf32, #tpu.memory_space<vmem>>
      tpu.wait_dma2 semaphore(%run_scoped3A : memref<!tpu.dma_semaphore, #tpu.memory_space<semaphore_mem>>) src(%dma_wait3A_155 : memref<1024xf32, #tpu.memory_space<vmem>>) dst(%dma_wait3A_153 : memref<1024xf32, #tpu.memory_space<hbm>>)
      tpu.yield
    }) : () -> ()
    %add3A_124 = arith.constant 196608 : i32
    %add3A_125 = arith.addi %add3A_124, %mul3A_2 : i32
    "tpu.region"() ({
      %run_scoped3A = tpu.sem_alloc : memref<!tpu.dma_semaphore, #tpu.memory_space<semaphore_mem>>
      %dma_start3A = arith.constant 6144 : i32
      %dma_start3A_146 = tpu.memref_slice %arg10[%dma_start3A] : memref<16384xf32, #tpu.memory_space<vmem>> -> memref<1024xf32, #tpu.memory_space<vmem>>
      %dma_start3A_147 = tpu.memref_slice %arg5[%add3A_125] : memref<524288xf32, #tpu.memory_space<hbm>> -> memref<1024xf32, #tpu.memory_space<hbm>>
      %dma_start3A_148 = tpu.memref_slice %arg5[%add3A_125] : memref<524288xf32, #tpu.memory_space<hbm>> -> memref<1024xf32, #tpu.memory_space<hbm>>
      %dma_start3A_149 = arith.constant 6144 : i32
      %dma_start3A_150 = tpu.memref_slice %arg10[%dma_start3A_149] : memref<16384xf32, #tpu.memory_space<vmem>> -> memref<1024xf32, #tpu.memory_space<vmem>>
      tpu.enqueue_dma source(%dma_start3A_150 : memref<1024xf32, #tpu.memory_space<vmem>>) target(%dma_start3A_148 : memref<1024xf32, #tpu.memory_space<hbm>>) target_semaphore(%run_scoped3A : memref<!tpu.dma_semaphore, #tpu.memory_space<semaphore_mem>>)
      %dma_wait3A = arith.constant 6144 : i32
      %dma_wait3A_151 = tpu.memref_slice %arg10[%dma_wait3A] : memref<16384xf32, #tpu.memory_space<vmem>> -> memref<1024xf32, #tpu.memory_space<vmem>>
      %dma_wait3A_152 = tpu.memref_slice %arg5[%add3A_125] : memref<524288xf32, #tpu.memory_space<hbm>> -> memref<1024xf32, #tpu.memory_space<hbm>>
      %dma_wait3A_153 = tpu.memref_slice %arg5[%add3A_125] : memref<524288xf32, #tpu.memory_space<hbm>> -> memref<1024xf32, #tpu.memory_space<hbm>>
      %dma_wait3A_154 = arith.constant 6144 : i32
      %dma_wait3A_155 = tpu.memref_slice %arg10[%dma_wait3A_154] : memref<16384xf32, #tpu.memory_space<vmem>> -> memref<1024xf32, #tpu.memory_space<vmem>>
      tpu.wait_dma2 semaphore(%run_scoped3A : memref<!tpu.dma_semaphore, #tpu.memory_space<semaphore_mem>>) src(%dma_wait3A_155 : memref<1024xf32, #tpu.memory_space<vmem>>) dst(%dma_wait3A_153 : memref<1024xf32, #tpu.memory_space<hbm>>)
      tpu.yield
    }) : () -> ()
    %add3A_126 = arith.constant 229376 : i32
    %add3A_127 = arith.addi %add3A_126, %mul3A_2 : i32
    "tpu.region"() ({
      %run_scoped3A = tpu.sem_alloc : memref<!tpu.dma_semaphore, #tpu.memory_space<semaphore_mem>>
      %dma_start3A = arith.constant 7168 : i32
      %dma_start3A_146 = tpu.memref_slice %arg10[%dma_start3A] : memref<16384xf32, #tpu.memory_space<vmem>> -> memref<1024xf32, #tpu.memory_space<vmem>>
      %dma_start3A_147 = tpu.memref_slice %arg5[%add3A_127] : memref<524288xf32, #tpu.memory_space<hbm>> -> memref<1024xf32, #tpu.memory_space<hbm>>
      %dma_start3A_148 = tpu.memref_slice %arg5[%add3A_127] : memref<524288xf32, #tpu.memory_space<hbm>> -> memref<1024xf32, #tpu.memory_space<hbm>>
      %dma_start3A_149 = arith.constant 7168 : i32
      %dma_start3A_150 = tpu.memref_slice %arg10[%dma_start3A_149] : memref<16384xf32, #tpu.memory_space<vmem>> -> memref<1024xf32, #tpu.memory_space<vmem>>
      tpu.enqueue_dma source(%dma_start3A_150 : memref<1024xf32, #tpu.memory_space<vmem>>) target(%dma_start3A_148 : memref<1024xf32, #tpu.memory_space<hbm>>) target_semaphore(%run_scoped3A : memref<!tpu.dma_semaphore, #tpu.memory_space<semaphore_mem>>)
      %dma_wait3A = arith.constant 7168 : i32
      %dma_wait3A_151 = tpu.memref_slice %arg10[%dma_wait3A] : memref<16384xf32, #tpu.memory_space<vmem>> -> memref<1024xf32, #tpu.memory_space<vmem>>
      %dma_wait3A_152 = tpu.memref_slice %arg5[%add3A_127] : memref<524288xf32, #tpu.memory_space<hbm>> -> memref<1024xf32, #tpu.memory_space<hbm>>
      %dma_wait3A_153 = tpu.memref_slice %arg5[%add3A_127] : memref<524288xf32, #tpu.memory_space<hbm>> -> memref<1024xf32, #tpu.memory_space<hbm>>
      %dma_wait3A_154 = arith.constant 7168 : i32
      %dma_wait3A_155 = tpu.memref_slice %arg10[%dma_wait3A_154] : memref<16384xf32, #tpu.memory_space<vmem>> -> memref<1024xf32, #tpu.memory_space<vmem>>
      tpu.wait_dma2 semaphore(%run_scoped3A : memref<!tpu.dma_semaphore, #tpu.memory_space<semaphore_mem>>) src(%dma_wait3A_155 : memref<1024xf32, #tpu.memory_space<vmem>>) dst(%dma_wait3A_153 : memref<1024xf32, #tpu.memory_space<hbm>>)
      tpu.yield
    }) : () -> ()
    %add3A_128 = arith.constant 262144 : i32
    %add3A_129 = arith.addi %add3A_128, %mul3A_2 : i32
    "tpu.region"() ({
      %run_scoped3A = tpu.sem_alloc : memref<!tpu.dma_semaphore, #tpu.memory_space<semaphore_mem>>
      %dma_start3A = arith.constant 8192 : i32
      %dma_start3A_146 = tpu.memref_slice %arg10[%dma_start3A] : memref<16384xf32, #tpu.memory_space<vmem>> -> memref<1024xf32, #tpu.memory_space<vmem>>
      %dma_start3A_147 = tpu.memref_slice %arg5[%add3A_129] : memref<524288xf32, #tpu.memory_space<hbm>> -> memref<1024xf32, #tpu.memory_space<hbm>>
      %dma_start3A_148 = tpu.memref_slice %arg5[%add3A_129] : memref<524288xf32, #tpu.memory_space<hbm>> -> memref<1024xf32, #tpu.memory_space<hbm>>
      %dma_start3A_149 = arith.constant 8192 : i32
      %dma_start3A_150 = tpu.memref_slice %arg10[%dma_start3A_149] : memref<16384xf32, #tpu.memory_space<vmem>> -> memref<1024xf32, #tpu.memory_space<vmem>>
      tpu.enqueue_dma source(%dma_start3A_150 : memref<1024xf32, #tpu.memory_space<vmem>>) target(%dma_start3A_148 : memref<1024xf32, #tpu.memory_space<hbm>>) target_semaphore(%run_scoped3A : memref<!tpu.dma_semaphore, #tpu.memory_space<semaphore_mem>>)
      %dma_wait3A = arith.constant 8192 : i32
      %dma_wait3A_151 = tpu.memref_slice %arg10[%dma_wait3A] : memref<16384xf32, #tpu.memory_space<vmem>> -> memref<1024xf32, #tpu.memory_space<vmem>>
      %dma_wait3A_152 = tpu.memref_slice %arg5[%add3A_129] : memref<524288xf32, #tpu.memory_space<hbm>> -> memref<1024xf32, #tpu.memory_space<hbm>>
      %dma_wait3A_153 = tpu.memref_slice %arg5[%add3A_129] : memref<524288xf32, #tpu.memory_space<hbm>> -> memref<1024xf32, #tpu.memory_space<hbm>>
      %dma_wait3A_154 = arith.constant 8192 : i32
      %dma_wait3A_155 = tpu.memref_slice %arg10[%dma_wait3A_154] : memref<16384xf32, #tpu.memory_space<vmem>> -> memref<1024xf32, #tpu.memory_space<vmem>>
      tpu.wait_dma2 semaphore(%run_scoped3A : memref<!tpu.dma_semaphore, #tpu.memory_space<semaphore_mem>>) src(%dma_wait3A_155 : memref<1024xf32, #tpu.memory_space<vmem>>) dst(%dma_wait3A_153 : memref<1024xf32, #tpu.memory_space<hbm>>)
      tpu.yield
    }) : () -> ()
    %add3A_130 = arith.constant 294912 : i32
    %add3A_131 = arith.addi %add3A_130, %mul3A_2 : i32
    "tpu.region"() ({
      %run_scoped3A = tpu.sem_alloc : memref<!tpu.dma_semaphore, #tpu.memory_space<semaphore_mem>>
      %dma_start3A = arith.constant 9216 : i32
      %dma_start3A_146 = tpu.memref_slice %arg10[%dma_start3A] : memref<16384xf32, #tpu.memory_space<vmem>> -> memref<1024xf32, #tpu.memory_space<vmem>>
      %dma_start3A_147 = tpu.memref_slice %arg5[%add3A_131] : memref<524288xf32, #tpu.memory_space<hbm>> -> memref<1024xf32, #tpu.memory_space<hbm>>
      %dma_start3A_148 = tpu.memref_slice %arg5[%add3A_131] : memref<524288xf32, #tpu.memory_space<hbm>> -> memref<1024xf32, #tpu.memory_space<hbm>>
      %dma_start3A_149 = arith.constant 9216 : i32
      %dma_start3A_150 = tpu.memref_slice %arg10[%dma_start3A_149] : memref<16384xf32, #tpu.memory_space<vmem>> -> memref<1024xf32, #tpu.memory_space<vmem>>
      tpu.enqueue_dma source(%dma_start3A_150 : memref<1024xf32, #tpu.memory_space<vmem>>) target(%dma_start3A_148 : memref<1024xf32, #tpu.memory_space<hbm>>) target_semaphore(%run_scoped3A : memref<!tpu.dma_semaphore, #tpu.memory_space<semaphore_mem>>)
      %dma_wait3A = arith.constant 9216 : i32
      %dma_wait3A_151 = tpu.memref_slice %arg10[%dma_wait3A] : memref<16384xf32, #tpu.memory_space<vmem>> -> memref<1024xf32, #tpu.memory_space<vmem>>
      %dma_wait3A_152 = tpu.memref_slice %arg5[%add3A_131] : memref<524288xf32, #tpu.memory_space<hbm>> -> memref<1024xf32, #tpu.memory_space<hbm>>
      %dma_wait3A_153 = tpu.memref_slice %arg5[%add3A_131] : memref<524288xf32, #tpu.memory_space<hbm>> -> memref<1024xf32, #tpu.memory_space<hbm>>
      %dma_wait3A_154 = arith.constant 9216 : i32
      %dma_wait3A_155 = tpu.memref_slice %arg10[%dma_wait3A_154] : memref<16384xf32, #tpu.memory_space<vmem>> -> memref<1024xf32, #tpu.memory_space<vmem>>
      tpu.wait_dma2 semaphore(%run_scoped3A : memref<!tpu.dma_semaphore, #tpu.memory_space<semaphore_mem>>) src(%dma_wait3A_155 : memref<1024xf32, #tpu.memory_space<vmem>>) dst(%dma_wait3A_153 : memref<1024xf32, #tpu.memory_space<hbm>>)
      tpu.yield
    }) : () -> ()
    %add3A_132 = arith.constant 327680 : i32
    %add3A_133 = arith.addi %add3A_132, %mul3A_2 : i32
    "tpu.region"() ({
      %run_scoped3A = tpu.sem_alloc : memref<!tpu.dma_semaphore, #tpu.memory_space<semaphore_mem>>
      %dma_start3A = arith.constant 10240 : i32
      %dma_start3A_146 = tpu.memref_slice %arg10[%dma_start3A] : memref<16384xf32, #tpu.memory_space<vmem>> -> memref<1024xf32, #tpu.memory_space<vmem>>
      %dma_start3A_147 = tpu.memref_slice %arg5[%add3A_133] : memref<524288xf32, #tpu.memory_space<hbm>> -> memref<1024xf32, #tpu.memory_space<hbm>>
      %dma_start3A_148 = tpu.memref_slice %arg5[%add3A_133] : memref<524288xf32, #tpu.memory_space<hbm>> -> memref<1024xf32, #tpu.memory_space<hbm>>
      %dma_start3A_149 = arith.constant 10240 : i32
      %dma_start3A_150 = tpu.memref_slice %arg10[%dma_start3A_149] : memref<16384xf32, #tpu.memory_space<vmem>> -> memref<1024xf32, #tpu.memory_space<vmem>>
      tpu.enqueue_dma source(%dma_start3A_150 : memref<1024xf32, #tpu.memory_space<vmem>>) target(%dma_start3A_148 : memref<1024xf32, #tpu.memory_space<hbm>>) target_semaphore(%run_scoped3A : memref<!tpu.dma_semaphore, #tpu.memory_space<semaphore_mem>>)
      %dma_wait3A = arith.constant 10240 : i32
      %dma_wait3A_151 = tpu.memref_slice %arg10[%dma_wait3A] : memref<16384xf32, #tpu.memory_space<vmem>> -> memref<1024xf32, #tpu.memory_space<vmem>>
      %dma_wait3A_152 = tpu.memref_slice %arg5[%add3A_133] : memref<524288xf32, #tpu.memory_space<hbm>> -> memref<1024xf32, #tpu.memory_space<hbm>>
      %dma_wait3A_153 = tpu.memref_slice %arg5[%add3A_133] : memref<524288xf32, #tpu.memory_space<hbm>> -> memref<1024xf32, #tpu.memory_space<hbm>>
      %dma_wait3A_154 = arith.constant 10240 : i32
      %dma_wait3A_155 = tpu.memref_slice %arg10[%dma_wait3A_154] : memref<16384xf32, #tpu.memory_space<vmem>> -> memref<1024xf32, #tpu.memory_space<vmem>>
      tpu.wait_dma2 semaphore(%run_scoped3A : memref<!tpu.dma_semaphore, #tpu.memory_space<semaphore_mem>>) src(%dma_wait3A_155 : memref<1024xf32, #tpu.memory_space<vmem>>) dst(%dma_wait3A_153 : memref<1024xf32, #tpu.memory_space<hbm>>)
      tpu.yield
    }) : () -> ()
    %add3A_134 = arith.constant 360448 : i32
    %add3A_135 = arith.addi %add3A_134, %mul3A_2 : i32
    "tpu.region"() ({
      %run_scoped3A = tpu.sem_alloc : memref<!tpu.dma_semaphore, #tpu.memory_space<semaphore_mem>>
      %dma_start3A = arith.constant 11264 : i32
      %dma_start3A_146 = tpu.memref_slice %arg10[%dma_start3A] : memref<16384xf32, #tpu.memory_space<vmem>> -> memref<1024xf32, #tpu.memory_space<vmem>>
      %dma_start3A_147 = tpu.memref_slice %arg5[%add3A_135] : memref<524288xf32, #tpu.memory_space<hbm>> -> memref<1024xf32, #tpu.memory_space<hbm>>
      %dma_start3A_148 = tpu.memref_slice %arg5[%add3A_135] : memref<524288xf32, #tpu.memory_space<hbm>> -> memref<1024xf32, #tpu.memory_space<hbm>>
      %dma_start3A_149 = arith.constant 11264 : i32
      %dma_start3A_150 = tpu.memref_slice %arg10[%dma_start3A_149] : memref<16384xf32, #tpu.memory_space<vmem>> -> memref<1024xf32, #tpu.memory_space<vmem>>
      tpu.enqueue_dma source(%dma_start3A_150 : memref<1024xf32, #tpu.memory_space<vmem>>) target(%dma_start3A_148 : memref<1024xf32, #tpu.memory_space<hbm>>) target_semaphore(%run_scoped3A : memref<!tpu.dma_semaphore, #tpu.memory_space<semaphore_mem>>)
      %dma_wait3A = arith.constant 11264 : i32
      %dma_wait3A_151 = tpu.memref_slice %arg10[%dma_wait3A] : memref<16384xf32, #tpu.memory_space<vmem>> -> memref<1024xf32, #tpu.memory_space<vmem>>
      %dma_wait3A_152 = tpu.memref_slice %arg5[%add3A_135] : memref<524288xf32, #tpu.memory_space<hbm>> -> memref<1024xf32, #tpu.memory_space<hbm>>
      %dma_wait3A_153 = tpu.memref_slice %arg5[%add3A_135] : memref<524288xf32, #tpu.memory_space<hbm>> -> memref<1024xf32, #tpu.memory_space<hbm>>
      %dma_wait3A_154 = arith.constant 11264 : i32
      %dma_wait3A_155 = tpu.memref_slice %arg10[%dma_wait3A_154] : memref<16384xf32, #tpu.memory_space<vmem>> -> memref<1024xf32, #tpu.memory_space<vmem>>
      tpu.wait_dma2 semaphore(%run_scoped3A : memref<!tpu.dma_semaphore, #tpu.memory_space<semaphore_mem>>) src(%dma_wait3A_155 : memref<1024xf32, #tpu.memory_space<vmem>>) dst(%dma_wait3A_153 : memref<1024xf32, #tpu.memory_space<hbm>>)
      tpu.yield
    }) : () -> ()
    %add3A_136 = arith.constant 393216 : i32
    %add3A_137 = arith.addi %add3A_136, %mul3A_2 : i32
    "tpu.region"() ({
      %run_scoped3A = tpu.sem_alloc : memref<!tpu.dma_semaphore, #tpu.memory_space<semaphore_mem>>
      %dma_start3A = arith.constant 12288 : i32
      %dma_start3A_146 = tpu.memref_slice %arg10[%dma_start3A] : memref<16384xf32, #tpu.memory_space<vmem>> -> memref<1024xf32, #tpu.memory_space<vmem>>
      %dma_start3A_147 = tpu.memref_slice %arg5[%add3A_137] : memref<524288xf32, #tpu.memory_space<hbm>> -> memref<1024xf32, #tpu.memory_space<hbm>>
      %dma_start3A_148 = tpu.memref_slice %arg5[%add3A_137] : memref<524288xf32, #tpu.memory_space<hbm>> -> memref<1024xf32, #tpu.memory_space<hbm>>
      %dma_start3A_149 = arith.constant 12288 : i32
      %dma_start3A_150 = tpu.memref_slice %arg10[%dma_start3A_149] : memref<16384xf32, #tpu.memory_space<vmem>> -> memref<1024xf32, #tpu.memory_space<vmem>>
      tpu.enqueue_dma source(%dma_start3A_150 : memref<1024xf32, #tpu.memory_space<vmem>>) target(%dma_start3A_148 : memref<1024xf32, #tpu.memory_space<hbm>>) target_semaphore(%run_scoped3A : memref<!tpu.dma_semaphore, #tpu.memory_space<semaphore_mem>>)
      %dma_wait3A = arith.constant 12288 : i32
      %dma_wait3A_151 = tpu.memref_slice %arg10[%dma_wait3A] : memref<16384xf32, #tpu.memory_space<vmem>> -> memref<1024xf32, #tpu.memory_space<vmem>>
      %dma_wait3A_152 = tpu.memref_slice %arg5[%add3A_137] : memref<524288xf32, #tpu.memory_space<hbm>> -> memref<1024xf32, #tpu.memory_space<hbm>>
      %dma_wait3A_153 = tpu.memref_slice %arg5[%add3A_137] : memref<524288xf32, #tpu.memory_space<hbm>> -> memref<1024xf32, #tpu.memory_space<hbm>>
      %dma_wait3A_154 = arith.constant 12288 : i32
      %dma_wait3A_155 = tpu.memref_slice %arg10[%dma_wait3A_154] : memref<16384xf32, #tpu.memory_space<vmem>> -> memref<1024xf32, #tpu.memory_space<vmem>>
      tpu.wait_dma2 semaphore(%run_scoped3A : memref<!tpu.dma_semaphore, #tpu.memory_space<semaphore_mem>>) src(%dma_wait3A_155 : memref<1024xf32, #tpu.memory_space<vmem>>) dst(%dma_wait3A_153 : memref<1024xf32, #tpu.memory_space<hbm>>)
      tpu.yield
    }) : () -> ()
    %add3A_138 = arith.constant 425984 : i32
    %add3A_139 = arith.addi %add3A_138, %mul3A_2 : i32
    "tpu.region"() ({
      %run_scoped3A = tpu.sem_alloc : memref<!tpu.dma_semaphore, #tpu.memory_space<semaphore_mem>>
      %dma_start3A = arith.constant 13312 : i32
      %dma_start3A_146 = tpu.memref_slice %arg10[%dma_start3A] : memref<16384xf32, #tpu.memory_space<vmem>> -> memref<1024xf32, #tpu.memory_space<vmem>>
      %dma_start3A_147 = tpu.memref_slice %arg5[%add3A_139] : memref<524288xf32, #tpu.memory_space<hbm>> -> memref<1024xf32, #tpu.memory_space<hbm>>
      %dma_start3A_148 = tpu.memref_slice %arg5[%add3A_139] : memref<524288xf32, #tpu.memory_space<hbm>> -> memref<1024xf32, #tpu.memory_space<hbm>>
      %dma_start3A_149 = arith.constant 13312 : i32
      %dma_start3A_150 = tpu.memref_slice %arg10[%dma_start3A_149] : memref<16384xf32, #tpu.memory_space<vmem>> -> memref<1024xf32, #tpu.memory_space<vmem>>
      tpu.enqueue_dma source(%dma_start3A_150 : memref<1024xf32, #tpu.memory_space<vmem>>) target(%dma_start3A_148 : memref<1024xf32, #tpu.memory_space<hbm>>) target_semaphore(%run_scoped3A : memref<!tpu.dma_semaphore, #tpu.memory_space<semaphore_mem>>)
      %dma_wait3A = arith.constant 13312 : i32
      %dma_wait3A_151 = tpu.memref_slice %arg10[%dma_wait3A] : memref<16384xf32, #tpu.memory_space<vmem>> -> memref<1024xf32, #tpu.memory_space<vmem>>
      %dma_wait3A_152 = tpu.memref_slice %arg5[%add3A_139] : memref<524288xf32, #tpu.memory_space<hbm>> -> memref<1024xf32, #tpu.memory_space<hbm>>
      %dma_wait3A_153 = tpu.memref_slice %arg5[%add3A_139] : memref<524288xf32, #tpu.memory_space<hbm>> -> memref<1024xf32, #tpu.memory_space<hbm>>
      %dma_wait3A_154 = arith.constant 13312 : i32
      %dma_wait3A_155 = tpu.memref_slice %arg10[%dma_wait3A_154] : memref<16384xf32, #tpu.memory_space<vmem>> -> memref<1024xf32, #tpu.memory_space<vmem>>
      tpu.wait_dma2 semaphore(%run_scoped3A : memref<!tpu.dma_semaphore, #tpu.memory_space<semaphore_mem>>) src(%dma_wait3A_155 : memref<1024xf32, #tpu.memory_space<vmem>>) dst(%dma_wait3A_153 : memref<1024xf32, #tpu.memory_space<hbm>>)
      tpu.yield
    }) : () -> ()
    %add3A_140 = arith.constant 458752 : i32
    %add3A_141 = arith.addi %add3A_140, %mul3A_2 : i32
    "tpu.region"() ({
      %run_scoped3A = tpu.sem_alloc : memref<!tpu.dma_semaphore, #tpu.memory_space<semaphore_mem>>
      %dma_start3A = arith.constant 14336 : i32
      %dma_start3A_146 = tpu.memref_slice %arg10[%dma_start3A] : memref<16384xf32, #tpu.memory_space<vmem>> -> memref<1024xf32, #tpu.memory_space<vmem>>
      %dma_start3A_147 = tpu.memref_slice %arg5[%add3A_141] : memref<524288xf32, #tpu.memory_space<hbm>> -> memref<1024xf32, #tpu.memory_space<hbm>>
      %dma_start3A_148 = tpu.memref_slice %arg5[%add3A_141] : memref<524288xf32, #tpu.memory_space<hbm>> -> memref<1024xf32, #tpu.memory_space<hbm>>
      %dma_start3A_149 = arith.constant 14336 : i32
      %dma_start3A_150 = tpu.memref_slice %arg10[%dma_start3A_149] : memref<16384xf32, #tpu.memory_space<vmem>> -> memref<1024xf32, #tpu.memory_space<vmem>>
      tpu.enqueue_dma source(%dma_start3A_150 : memref<1024xf32, #tpu.memory_space<vmem>>) target(%dma_start3A_148 : memref<1024xf32, #tpu.memory_space<hbm>>) target_semaphore(%run_scoped3A : memref<!tpu.dma_semaphore, #tpu.memory_space<semaphore_mem>>)
      %dma_wait3A = arith.constant 14336 : i32
      %dma_wait3A_151 = tpu.memref_slice %arg10[%dma_wait3A] : memref<16384xf32, #tpu.memory_space<vmem>> -> memref<1024xf32, #tpu.memory_space<vmem>>
      %dma_wait3A_152 = tpu.memref_slice %arg5[%add3A_141] : memref<524288xf32, #tpu.memory_space<hbm>> -> memref<1024xf32, #tpu.memory_space<hbm>>
      %dma_wait3A_153 = tpu.memref_slice %arg5[%add3A_141] : memref<524288xf32, #tpu.memory_space<hbm>> -> memref<1024xf32, #tpu.memory_space<hbm>>
      %dma_wait3A_154 = arith.constant 14336 : i32
      %dma_wait3A_155 = tpu.memref_slice %arg10[%dma_wait3A_154] : memref<16384xf32, #tpu.memory_space<vmem>> -> memref<1024xf32, #tpu.memory_space<vmem>>
      tpu.wait_dma2 semaphore(%run_scoped3A : memref<!tpu.dma_semaphore, #tpu.memory_space<semaphore_mem>>) src(%dma_wait3A_155 : memref<1024xf32, #tpu.memory_space<vmem>>) dst(%dma_wait3A_153 : memref<1024xf32, #tpu.memory_space<hbm>>)
      tpu.yield
    }) : () -> ()
    %add3A_142 = arith.constant 491520 : i32
    %add3A_143 = arith.addi %add3A_142, %mul3A_2 : i32
    "tpu.region"() ({
      %run_scoped3A = tpu.sem_alloc : memref<!tpu.dma_semaphore, #tpu.memory_space<semaphore_mem>>
      %dma_start3A = arith.constant 15360 : i32
      %dma_start3A_146 = tpu.memref_slice %arg10[%dma_start3A] : memref<16384xf32, #tpu.memory_space<vmem>> -> memref<1024xf32, #tpu.memory_space<vmem>>
      %dma_start3A_147 = tpu.memref_slice %arg5[%add3A_143] : memref<524288xf32, #tpu.memory_space<hbm>> -> memref<1024xf32, #tpu.memory_space<hbm>>
      %dma_start3A_148 = tpu.memref_slice %arg5[%add3A_143] : memref<524288xf32, #tpu.memory_space<hbm>> -> memref<1024xf32, #tpu.memory_space<hbm>>
      %dma_start3A_149 = arith.constant 15360 : i32
      %dma_start3A_150 = tpu.memref_slice %arg10[%dma_start3A_149] : memref<16384xf32, #tpu.memory_space<vmem>> -> memref<1024xf32, #tpu.memory_space<vmem>>
      tpu.enqueue_dma source(%dma_start3A_150 : memref<1024xf32, #tpu.memory_space<vmem>>) target(%dma_start3A_148 : memref<1024xf32, #tpu.memory_space<hbm>>) target_semaphore(%run_scoped3A : memref<!tpu.dma_semaphore, #tpu.memory_space<semaphore_mem>>)
      %dma_wait3A = arith.constant 15360 : i32
      %dma_wait3A_151 = tpu.memref_slice %arg10[%dma_wait3A] : memref<16384xf32, #tpu.memory_space<vmem>> -> memref<1024xf32, #tpu.memory_space<vmem>>
      %dma_wait3A_152 = tpu.memref_slice %arg5[%add3A_143] : memref<524288xf32, #tpu.memory_space<hbm>> -> memref<1024xf32, #tpu.memory_space<hbm>>
      %dma_wait3A_153 = tpu.memref_slice %arg5[%add3A_143] : memref<524288xf32, #tpu.memory_space<hbm>> -> memref<1024xf32, #tpu.memory_space<hbm>>
      %dma_wait3A_154 = arith.constant 15360 : i32
      %dma_wait3A_155 = tpu.memref_slice %arg10[%dma_wait3A_154] : memref<16384xf32, #tpu.memory_space<vmem>> -> memref<1024xf32, #tpu.memory_space<vmem>>
      tpu.wait_dma2 semaphore(%run_scoped3A : memref<!tpu.dma_semaphore, #tpu.memory_space<semaphore_mem>>) src(%dma_wait3A_155 : memref<1024xf32, #tpu.memory_space<vmem>>) dst(%dma_wait3A_153 : memref<1024xf32, #tpu.memory_space<hbm>>)
      tpu.yield
    }) : () -> ()
    %mul3A_144 = arith.constant 256 : i32
    %mul3A_145 = arith.muli %add3A, %mul3A_144 : i32
    "tpu.region"() ({
      %run_scoped3A = tpu.sem_alloc : memref<!tpu.dma_semaphore, #tpu.memory_space<semaphore_mem>>
      %dma_start3A = tpu.memref_slice %arg6[%mul3A_145] : memref<8192xf32, #tpu.memory_space<hbm>> -> memref<256xf32, #tpu.memory_space<hbm>>
      %dma_start3A_146 = tpu.memref_slice %arg6[%mul3A_145] : memref<8192xf32, #tpu.memory_space<hbm>> -> memref<256xf32, #tpu.memory_space<hbm>>
      tpu.enqueue_dma source(%arg11 : memref<256xf32, #tpu.memory_space<vmem>>) target(%dma_start3A_146 : memref<256xf32, #tpu.memory_space<hbm>>) target_semaphore(%run_scoped3A : memref<!tpu.dma_semaphore, #tpu.memory_space<semaphore_mem>>)
      %dma_wait3A = tpu.memref_slice %arg6[%mul3A_145] : memref<8192xf32, #tpu.memory_space<hbm>> -> memref<256xf32, #tpu.memory_space<hbm>>
      %dma_wait3A_147 = tpu.memref_slice %arg6[%mul3A_145] : memref<8192xf32, #tpu.memory_space<hbm>> -> memref<256xf32, #tpu.memory_space<hbm>>
      tpu.wait_dma2 semaphore(%run_scoped3A : memref<!tpu.dma_semaphore, #tpu.memory_space<semaphore_mem>>) src(%arg11 : memref<256xf32, #tpu.memory_space<vmem>>) dst(%dma_wait3A_147 : memref<256xf32, #tpu.memory_space<hbm>>)
      tpu.yield
    }) : () -> ()
    return
  }
}

module attributes {stable_mosaic.version = 14 : i64} {
  func.func @_matmul_kernel(%arg0: i32, %arg1: memref<1024x1024xf32, #tpu.memory_space<vmem>>, %arg2: memref<1024x1024xf32, #tpu.memory_space<vmem>>, %arg3: memref<1024x8xf32, #tpu.memory_space<vmem>>, %arg4: memref<8x1xf32, #tpu.memory_space<vmem>>, %arg5: memref<2x8x1024xf32, #tpu.memory_space<vmem>>) attributes {dimension_semantics = [#tpu.dimension_semantics<arbitrary>], iteration_bounds = array<i64: 16>, scalar_prefetch = 0 : i64, scratch_operands = 0 : i64, tpu.core_type = #tpu.core_type<tc>, window_params = [{transform_indices = @transform_0, window_bounds = array<i64: 1024, 1024>}, {transform_indices = @transform_1, window_bounds = array<i64: 1024, 1024>}, {pipeline_mode = #tpu.pipeline_mode<synchronous>, transform_indices = @transform_2, window_bounds = array<i64: 1024, 8>}, {pipeline_mode = #tpu.pipeline_mode<synchronous>, transform_indices = @transform_3, window_bounds = array<i64: 8, 1>}, {transform_indices = @transform_4, window_bounds = array<i64: 2, 8, 1024>}]} {
    %get3A = arith.constant 0 : index
    %get3A_0 = arith.constant 0 : index
    %get3A_1 = vector.load %arg3[%get3A, %get3A_0] : memref<1024x8xf32, #tpu.memory_space<vmem>>, vector<1024x8xf32>
    %get3A_2 = arith.constant 0 : index
    %get3A_3 = arith.constant 0 : index
    %get3A_4 = vector.load %arg1[%get3A_2, %get3A_3] : memref<1024x1024xf32, #tpu.memory_space<vmem>>, vector<1024x1024xf32>
    %dot_general3A = arith.constant dense<0.000000e+00> : vector<8x1024xf32>
    %dot_general3A_5 = tpu.matmul %get3A_1, %get3A_4, %dot_general3A {dimension_numbers = #tpu.dot_dimension_numbers<[0], [1], [1], [0], [0, 1, 1, 0], [], []>, transpose_lhs_hint = false} : vector<1024x8xf32>, vector<1024x1024xf32>, vector<8x1024xf32> -> vector<8x1024xf32>
    %get3A_6 = arith.constant 0 : index
    %get3A_7 = arith.constant 0 : index
    %get3A_8 = vector.load %arg3[%get3A_6, %get3A_7] : memref<1024x8xf32, #tpu.memory_space<vmem>>, vector<1024x8xf32>
    %get3A_9 = arith.constant 0 : index
    %get3A_10 = arith.constant 0 : index
    %get3A_11 = vector.load %arg2[%get3A_9, %get3A_10] : memref<1024x1024xf32, #tpu.memory_space<vmem>>, vector<1024x1024xf32>
    %dot_general3A_12 = arith.constant dense<0.000000e+00> : vector<8x1024xf32>
    %dot_general3A_13 = tpu.matmul %get3A_8, %get3A_11, %dot_general3A_12 {dimension_numbers = #tpu.dot_dimension_numbers<[0], [1], [1], [0], [0, 1, 1, 0], [], []>, transpose_lhs_hint = false} : vector<1024x8xf32>, vector<1024x1024xf32>, vector<8x1024xf32> -> vector<8x1024xf32>
    %get3A_14 = arith.constant 0 : index
    %get3A_15 = arith.constant 0 : index
    %get3A_16 = vector.load %arg4[%get3A_14, %get3A_15] : memref<8x1xf32, #tpu.memory_space<vmem>>, vector<8x1xf32>
    %add3A = vector.broadcast %get3A_16 : vector<8x1xf32> to vector<8x1024xf32>
    %add3A_17 = arith.addf %dot_general3A_5, %add3A : vector<8x1024xf32>
    %swap3A = arith.constant 0 : index
    %swap3A_18 = arith.constant 0 : index
    %swap3A_19 = arith.constant 0 : index
    %swap3A_20 = vector.load %arg5[%swap3A, %swap3A_18, %swap3A_19] : memref<2x8x1024xf32, #tpu.memory_space<vmem>>, vector<1x8x1024xf32>
    %swap3A_21 = vector.shape_cast %swap3A_20 : vector<1x8x1024xf32> to vector<8x1024xf32>
    %swap3A_22 = vector.shape_cast %add3A_17 : vector<8x1024xf32> to vector<1x8x1024xf32>
    tpu.vector_store %arg5[%swap3A, %swap3A_18, %swap3A_19], %swap3A_22 {strides = array<i32>} : memref<2x8x1024xf32, #tpu.memory_space<vmem>>, vector<1x8x1024xf32>,
    %get3A_23 = arith.constant 0 : index
    %get3A_24 = arith.constant 0 : index
    %get3A_25 = vector.load %arg4[%get3A_23, %get3A_24] : memref<8x1xf32, #tpu.memory_space<vmem>>, vector<8x1xf32>
    %add3A_26 = vector.broadcast %get3A_25 : vector<8x1xf32> to vector<8x1024xf32>
    %add3A_27 = arith.addf %dot_general3A_13, %add3A_26 : vector<8x1024xf32>
    %swap3A_28 = arith.constant 1 : index
    %swap3A_29 = arith.constant 0 : index
    %swap3A_30 = arith.constant 0 : index
    %swap3A_31 = vector.load %arg5[%swap3A_28, %swap3A_29, %swap3A_30] : memref<2x8x1024xf32, #tpu.memory_space<vmem>>, vector<1x8x1024xf32>
    %swap3A_32 = vector.shape_cast %swap3A_31 : vector<1x8x1024xf32> to vector<8x1024xf32>
    %swap3A_33 = vector.shape_cast %add3A_27 : vector<8x1024xf32> to vector<1x8x1024xf32>
    tpu.vector_store %arg5[%swap3A_28, %swap3A_29, %swap3A_30], %swap3A_33 {strides = array<i32>} : memref<2x8x1024xf32, #tpu.memory_space<vmem>>, vector<1x8x1024xf32>,
    return
  }
  func.func @transform_0(%arg0: i32) -> (i32, i32) {
    %mul3A = arith.constant 2 : i32
    %mul3A_0 = arith.muli %mul3A, %arg0 : i32
    %c0_i32 = arith.constant 0 : i32
    %c0_i32_1 = arith.constant 0 : i32
    return %mul3A_0, %c0_i32 : i32, i32
  }
  func.func @transform_1(%arg0: i32) -> (i32, i32) {
    %mul3A = arith.constant 2 : i32
    %mul3A_0 = arith.muli %mul3A, %arg0 : i32
    %add3A = arith.constant 1 : i32
    %add3A_1 = arith.addi %mul3A_0, %add3A : i32
    %c0_i32 = arith.constant 0 : i32
    %c0_i32_2 = arith.constant 0 : i32
    return %add3A_1, %c0_i32 : i32, i32
  }
  func.func @transform_2(%arg0: i32) -> (i32, i32) {
    %c0_i32 = arith.constant 0 : i32
    %c0_i32_0 = arith.constant 0 : i32
    %c0_i32_1 = arith.constant 0 : i32
    return %c0_i32, %c0_i32_0 : i32, i32
  }
  func.func @transform_3(%arg0: i32) -> (i32, i32) {
    %c0_i32 = arith.constant 0 : i32
    %c0_i32_0 = arith.constant 0 : i32
    %c0_i32_1 = arith.constant 0 : i32
    return %c0_i32, %c0_i32_0 : i32, i32
  }
  func.func @transform_4(%arg0: i32) -> (i32, i32, i32) {
    %c0_i32 = arith.constant 0 : i32
    %c0_i32_0 = arith.constant 0 : i32
    %c0_i32_1 = arith.constant 0 : i32
    return %arg0, %c0_i32, %c0_i32_0 : i32, i32, i32
  }
}

</mosaic_0001>

<sc_bundles>
// kernel: kernel.4.cloned.1.call-start
scs
__scs_entry_jumppad:
0x0: {  	(pc) =	sbr.rel $0x88, $3  }
0x1: {  	(tag) =	ssettag $0x0;
	lr =	simm.s32 $0x1  }
0x2: {  	[smem:$0x3F9E] =	sst lr;
	_ =	strace $0xD0000000  }
0x3: {  	_ = 	snop  }
0x4: {  	_ = 	snop  }
0x5: {  	_ = 	snop  }
0x6: {  	_ = 	snop  }
0x7: {  	_ = 	snop  }
__scs_overlays_trampoline_lowered:
0x8: {  	[smem:$0x3FAD] =	sst s0  }
0x9: {  	[smem:$0x3FAE] =	sst s1  }
0xa: {  	[smem:$0x3FAF] =	sst s2  }
0xb: {  	[smem:$0x3FB0] =	sst s3  }
0xc: {  	[smem:$0x3FB1] =	sst s4  }
0xd: {  	[smem:$0x3FB2] =	sst s5  }
0xe: {  	[smem:$0x3FB3] =	sst s6  }
0xf: {  	[smem:$0x3FB4] =	sst s7  }
0x10: {  	[smem:$0x3FB5] =	sst s8  }
0x11: {  	[smem:$0x3FB6] =	sst s9;
	s0 =	simm.s32 @!p0 $0x0  }
0x12: {  	s1 =	sld [smem:$0x3F9C];
	s0 =	simm.s32 @p0 $0x1  }
0x13: {  	[smem:$0x3FB7] =	sst s0;
	s0 =	simm.s32 @!p1 $0x0  }
0x14: {  	s2 =	sld [smem:$0x3F9B];
	s0 =	simm.s32 @p1 $0x1  }
0x15: {  	[smem:$0x3FB8] =	sst s0;
	s0 =	simm.s32 @!p2 $0x0  }
0x16: {  	s3 =	sld [smem:$0x3FDB];
	s0 =	simm.s32 @p2 $0x1  }
0x17: {  	s4 =	simm.s32 $0x1BF5;
	[smem:$0x3FBA] =	sst s0  }
0x18: {  	s0 =	sld [smem:$0x3F9D];
	_ =	swait.ge [sflag:s4], $0x0  }
0x19: {  	s7 =	sld [smem:$0x3F9E]  }
0x1a: {  	s8 =	sadd.s32 $0xFFFFE003, lr  }
0x1b: {  	s9 =	sadd.s32 $0xFFFFFEF7, lr;
	s5 =	simm.s32 $0xFFFFFFFF;
	p2 =	slt.u32 s8, $0xFFFFF086  }
0x1c: {  	p1 =	slt.u32 s9, $0xF7A;
	s5 =	simm.s32 @!p2 $0x0  }
0x1d: {  	s5 =	simm.s32 @p1 $0x1;
	p0 =	seq.s32 s7, s2  }
0x1e: {  	s7 =	smul.u32 @!p0 $0xF7A, s2;
	p2 =	seq.s32 @!p0 s5, $0x0  }
0x1f: {  	s9 =	smul.u32 $0xF7A, s1;
	s8 =	simm.s32 @!p0 $0x1BF5;
	p2 =	por !p2, p0  }
0x20: {  	[sflag:s8] =	ssyncset.s32 @!p0 $0xFFFFF086;
	s6 =	sadd.s32 @!p0 s3, s7;
	s7 =	simm.s32 @!p0 $0x108  }
0x21: {  	s3 =	sadd.s32 s3, s9;
	s6 =	sadd.s32 @!p0 $0x88, s6;
	s7 =	simm.s32 @p2 $0x1082  }
0x22: {  	[simem:s7], [sflag:s8] =	dma.local @!p0 [hbm:s6], $0xF7A  }
0x23: {  	s9 =	sor.u32 $0xD0000000, s2;
	s6 =	simm.s32 $0x108;
	_ =	swait.ge @!p0 [sflag:s8], $0x0  }
0x24: {  	s3 =	sadd.s32 $0x88, s3;
	s6 =	simm.s32 @!p1 $0x1082;
	[sflag:s4] =	ssyncset.s32 $0xFFFFF086  }
0x25: {  	[simem:s6], [sflag:s4] =	dma.local [hbm:s3], $0xF7A  }
0x26: {  	[smem:$0x3F9E] =	sst s1;
	(tag) =	ssettag s2;
	_ =	strace s9  }
0x27: {  	s1 =	sld [smem:$0x3FAE]  }
0x28: {  	s2 =	sld [smem:$0x3FAF]  }
0x29: {  	s4 =	sld [smem:$0x3FB1]  }
0x2a: {  	p0 =	seq.s32 s5, $0x0;
	s5 =	sld [smem:$0x3FB2]  }
0x2b: {  	s6 =	sld [smem:$0x3FB3]  }
0x2c: {  	s7 =	sld [smem:$0x3FB4]  }
0x2d: {  	s3 =	simm.s32 $0x108;
	s8 =	sld [smem:$0x3FB5]  }
0x2e: {  	s3 =	simm.s32 @!p0 $0x1082;
	s9 =	sld [smem:$0x3FB6]  }
0x2f: {  	lr =	sadd.s32 s0, s3;
	s0 =	sld [smem:$0x3FAD]  }
0x30: {  	s3 =	sld [smem:$0x3FB0]  }
0x31: {  	[smem:$0x3FB9] =	sst s10  }
0x32: {  	s10 =	sld [smem:$0x3FB7];
	_ =	sdelay $0x3  }
0x33: {  	p0 =	seq.s32 s10, $0x1;
	s10 =	sld [smem:$0x3FB9];
	_ =	sdelay $0x3  }
0x34: {  	[smem:$0x3FB9] =	sst s10  }
0x35: {  	s10 =	sld [smem:$0x3FB8];
	_ =	sdelay $0x3  }
0x36: {  	p1 =	seq.s32 s10, $0x1;
	s10 =	sld [smem:$0x3FB9];
	_ =	sdelay $0x3  }
0x37: {  	[smem:$0x3FB9] =	sst s10  }
0x38: {  	s10 =	sld [smem:$0x3FBA]  }
0x39: {  	_ = 	snop;
	(pc) =	sbr.ind lr, $3  }
0x3a: {  	_ = 	snop  }
0x3b: {  	_ = 	snop  }
0x3c: {  	p2 =	seq.s32 s10, $0x1;
	s10 =	sld [smem:$0x3FB9]  }
0x3d: {  	_ =	shalt  }
0x3e: {  	_ =	shalt  }
0x3f: {  	_ =	shalt  }
0x40: {  	_ =	shalt  }
0x41: {  	_ =	shalt  }
0x42: {  	_ =	shalt  }
0x43: {  	_ =	shalt  }
0x44: {  	_ =	shalt  }
0x45: {  	_ =	shalt  }
0x46: {  	_ =	shalt  }
0x47: {  	_ =	shalt  }
0x48: {  	_ =	shalt  }
0x49: {  	_ =	shalt  }
0x4a: {  	_ =	shalt  }
0x4b: {  	_ =	shalt  }
0x4c: {  	_ =	shalt  }
0x4d: {  	_ =	shalt  }
0x4e: {  	_ =	shalt  }
0x4f: {  	_ =	shalt  }
0x50: {  	_ =	shalt  }
0x51: {  	_ =	shalt  }
0x52: {  	_ =	shalt  }
0x53: {  	_ =	shalt  }
0x54: {  	_ =	shalt  }
0x55: {  	_ =	shalt  }
0x56: {  	_ =	shalt  }
0x57: {  	_ =	shalt  }
0x58: {  	_ =	shalt  }
0x59: {  	_ =	shalt  }
0x5a: {  	_ =	shalt  }
0x5b: {  	_ =	shalt  }
0x5c: {  	_ =	shalt  }
0x5d: {  	_ =	shalt  }
0x5e: {  	_ =	shalt  }
0x5f: {  	_ =	shalt  }
0x60: {  	_ =	shalt  }
0x61: {  	_ =	shalt  }
0x62: {  	_ =	shalt  }
0x63: {  	_ =	shalt  }
0x64: {  	_ =	shalt  }
0x65: {  	_ =	shalt  }
0x66: {  	_ =	shalt  }
0x67: {  	_ =	shalt  }
0x68: {  	_ =	shalt  }
0x69: {  	_ =	shalt  }
0x6a: {  	_ =	shalt  }
0x6b: {  	_ =	shalt  }
0x6c: {  	_ =	shalt  }
0x6d: {  	_ =	shalt  }
0x6e: {  	_ =	shalt  }
0x6f: {  	_ =	shalt  }
0x70: {  	_ =	shalt  }
0x71: {  	_ =	shalt  }
0x72: {  	_ =	shalt  }
0x73: {  	_ =	shalt  }
0x74: {  	_ =	shalt  }
0x75: {  	_ =	shalt  }
0x76: {  	_ =	shalt  }
0x77: {  	_ =	shalt  }
0x78: {  	_ =	shalt  }
0x79: {  	_ =	shalt  }
0x7a: {  	_ =	shalt  }
0x7b: {  	_ =	shalt  }
0x7c: {  	_ =	shalt  }
0x7d: {  	_ =	shalt  }
0x7e: {  	_ =	shalt  }
0x7f: {  	_ =	shalt  }
0x80: {  	_ =	shalt  }
0x81: {  	_ =	shalt  }
0x82: {  	_ =	shalt  }
0x83: {  	_ =	shalt  }
0x84: {  	_ =	shalt  }
0x85: {  	_ =	shalt  }
0x86: {  	_ =	shalt  }
0x87: {  	_ =	shalt  }
.Lfunc_end0:
.L_simem_size_0:
called_computation_lowered:
.L_overlay_start_0:
0x88: {  	s2 =	sld [smem:$0x3FD9]  }
0x89: {  	s3 =	sld [smem:$0x3FFE];
	_ =	sdelay $0x1  }
0x8a: {  	s1 =	srdreg.scid  }
0x8b: {  	s0 =	sand.u32 $0x1, s1  }
0x8c: {  	s14 =	sshll.u32 s0, $0xA;
	s2 =	sadd.s32 s3, s2  }
0x8d: {  	s2 =	sadd.s32 s2, s14  }
0x8e: {  	[smem:$0x3FC5] =	sst s2  }
0x8f: {  	_ = 	snop  }
0x90: {  	s2 =	sld [smem:$0x3FD0];
	_ =	sdelay $0x2  }
0x91: {  	s15 =	simm.s32 $0xA;
	s4 =	simm.s32 $0x10  }
0x92: {  	[smem:s4], [sflag:s15] =	dma.local [hbm:s2], $0x1  }
0x93: {  	_ =	swait.eq [sflag:s15], $0x1  }
0x94: {  	[sflag:s15] =	ssyncset.done $0x0  }
0x95: {  	s16 =	sld [smem:$0x11];
	[sflag:s15] =	ssyncadd.s32 $0xFFFFFFFF  }
0x96: {  	s17 =	sld [smem:$0x12];
	(tm) =	ssettm $0x1  }
0x97: {  	s18 =	sld [smem:$0x3FFB];
	_ =	sdelay $0x3  }
0x98: {  	_ =	strace s18  }
0x99: {  	s4 =	sld [smem:$0x3FFC];
	_ =	sdelay $0x3  }
0x9a: {  	_ =	strace s4  }
0x9b: {  	s4 =	sld [smem:$0x3FFD];
	_ =	sdelay $0x3  }
0x9c: {  	_ =	strace s4  }
0x9d: {  	_ =	strace $0x8FFFFFFF  }
0x9e: {  	s19 =	sld [smem:$0x3FDB];
	_ =	sdelay $0x1  }
0x9f: {  	s5 =	simm.s32 $_scs_section_size  }
0xa0: {  	s6 =	simm.s32 $_size__tile_overlayer_lowered;
	s7 =	simm.s32 $_tile_overlayer_lowered  }
0xa1: {  	s22 =	simm.s32 $0x1BFF;
	s21 =	sshll.u32 s7, $0x1;
	s4 =	sadd.s32 s5, s19  }
0xa2: {  	s8 =	simm.s32 $0x0;
	s20 =	sshll.u32 s6, $0x1;
	s6 =	sadd.s32 s21, s4  }
0xa3: {  	[timem:s8], [sflag:s22] =	dma.local [hbm:s6], s20  }
0xa4: {  	_ =	swait.ge [sflag:s22], s20  }
0xa5: {  	s5 =	ssub.s32 $0x0, s20;
	[sflag:s22] =	ssyncset.done $0x0  }
0xa6: {  	[sflag:s22] =	ssyncadd.s32 s5;
	_ =	sdelay $0x1  }
0xa7: {  	s23 =	simm.s32 $0x1B8B  }
0xa8: {  	_ =	swait.ge [sflag:s23], $0x1  }
0xa9: {  	[sflag:s23] =	ssyncset.done $0x0  }
0xaa: {  	s25 =	simm.s32 $0x1B8E;
	s24 =	sld [smem:$0x3FFE];
	[sflag:s23] =	ssyncadd.s32 $0xFFFFFFFF  }
0xab: {  	s26 =	simm.s32 $execute0_lowered;
	[smem:$0x3FD2] =	sst s25  }
0xac: {  	s6 =	sshll.u32 s26, $0x1;
	_ =	strace $0x80000046;
	[dreg:$0x1] =	wrdreg $0xFFFFFFFF  }
0xad: {  	s28 =	simm.s32 $_size_execute0_lowered;
	s4 =	sadd.s32 s4, s6;
	[dreg:$0x0] =	wrdreg $0x0  }
0xae: {  	s6 =	sshll.u32 s28, $0x1;
	[dreg:$0x2] =	wrdreg s4  }
0xaf: {  	[dreg:$0x3] =	wrdreg s6  }
0xb0: {  	[dreg:$0x4] =	wrdreg $0xC0  }
0xb1: {  	_ =	task [dreg:s8], $0x5FFFF  }
0xb2: {  	[dreg:$0x1] =	wrdreg $0xFFFFFFFF  }
0xb3: {  	[dreg:$0x0] =	wrdreg $0x60  }
0xb4: {  	[dreg:$0x2] =	wrdreg s17  }
0xb5: {  	[dreg:$0x3] =	wrdreg s16  }
0xb6: {  	[dreg:$0x4] =	wrdreg s24  }
0xb7: {  	[dreg:$0x5] =	wrdreg $0x9  }
0xb8: {  	_ =	task.clear_ibuf [dreg:s8], $0x6FFFF;
	_ =	strace $0x90000046  }
0xb9: {  	s29 =	simm.s32 $0x9;
	_ =	strace $0x80000048  }
0xba: {  	_ =	swait.ge [sflag:s29], $0x1  }
0xbb: {  	[sflag:s29] =	ssyncadd.s32 $0xFFFFFFFF  }
0xbc: {  	_ =	strace $0x90000048  }
0xbd: {  	_ =	sfence  }
0xbe: {  	s30 =	sld [smem:$0x0];
	_ =	sdelay $0x2  }
0xbf: {  	s31 =	sshll.u32 s1, $0xD;
	s1 =	sshrl.u32 s1, $0x2  }
0xc0: {  	s3 =	sand.u32 $0x4000, s31;
	s1 =	sadd.s32 s1, s30  }
0xc1: {  	s0 =	sor.u32 s3, s0;
	s1 =	sshll.u32 s1, $0x11  }
0xc2: {  	s0 =	sor.u32 s1, s0  }
0xc3: {  	s0 =	sadd.s32 $0x8F2B, s0  }
0xc4: {  	[sflag:s0] =	ssyncadd.remote.s32 $0x1  }
0xc5: {  	_ =	sfence.sel $0xFFFF  }
0xc6: {  	[dreg:$0x0] =	wrdreg $0xFFFFFFFF;
	(pc) =	sbr.abs _section_cstart, $3  }
0xc7: {  	[dreg:$0x1] =	wrdreg $0xFFFFFFFF  }
0xc8: {  	_ =	task.clear_ibuf [dreg:s8], $0x2FFFF;
	_ =	strace $0x9FFFFFFF  }
0xc9: {  	(tm) =	ssettm $0x7FFFFFFF  }
tec
execute0_lowered:
.L_overlay_start_1:
0x0: {  	(tag) =	ssettag $0x1  }
0x1: {  	s0 =	rddreg [dreg:$0x0]  }
0x2: {  	s1 =	rddreg [dreg:$0x1]  }
0x3: {  	s3 =	rddreg [dreg:$0x2];
	s4 =	srdreg.scid  }
0x4: {  	s5 =	stileid.u32;
	s2 =	simm.s32 $0x0;
	s28 =	simm.s32 $0x0  }
0x5: {  	s4 =	sand.u32 $0x1, s4;
	s5 =	sshll.u32 s5, $0x1;
	[smem:$0x7FF] =	sst s2  }
0x6: {  	s7 =	sadd.s32 $0x2400, s3;
	s5 =	sor.u32 s4, s5;
	_ =	strace $0x80000047  }
0x7: {  	s4 =	ssub.s32 $0x2, s4;
	s6 =	sshll.u32 s5, $0x5;
	s9 =	sshll.u32 s5, $0xA  }
0x8: {  	s8 =	sshrl.u32 s4, $0x1;
	s5 =	sshll.u32 s5, $0x7;
	s0 =	sadd.s32 s0, s9  }
0x9: {  	s6 =	sadd.s32 s6, s3;
	s29 =	sadd.s32 s1, s5;
	[dreg:$0x4] =	wrdreg s0  }
0xa: {  	s4 =	ssub.s32 s4, s8;
	s30 =	sadd.s32 s3, s5;
	[dreg:$0x5] =	wrdreg s29  }
0xb: {  	s26 =	sor.u32 $0x1000, s5;
	s8 =	sadd.s32 s7, s5;
	[dreg:$0x6] =	wrdreg s30  }
0xc: {  	s1 =	sadd.s32 s1, s26;
	s31 =	sadd.s32 s3, s26;
	s0 =	sadd.s32 s7, s26  }
0xd: {  	s10 =	sadd.s32 $0x2000, s8;
	s11 =	sadd.s32 $0x3000, s8;
	s12 =	sadd.s32 $0x4000, s8  }
0xe: {  	s13 =	sadd.s32 $0x5000, s8;
	s14 =	sadd.s32 $0x6000, s8;
	s15 =	sadd.s32 $0x7000, s8  }
0xf: {  	s16 =	sadd.s32 $0x8000, s8;
	s17 =	sadd.s32 $0x9000, s8;
	s18 =	sadd.s32 $0xA000, s8  }
0x10: {  	s19 =	sadd.s32 $0xB000, s8;
	s20 =	sadd.s32 $0xC000, s8;
	s21 =	sadd.s32 $0xD000, s8  }
0x11: {  	s22 =	sadd.s32 $0xE000, s8;
	s23 =	sadd.s32 $0xF000, s8;
	[dreg:$0x7] =	wrdreg s1  }
0x12: {  	s24 =	sadd.s32 $0x2000, s6;
	s25 =	smax.u32 s4, $0x1;
	[dreg:$0x8] =	wrdreg s31  }
0x13: {  	v0 =	vimm.s32 $0x8;
	v1 =	vimm.f32 $1.000000000e+00;
	v2 =	vimm.f32 $0.0e+00;
	s26 =	simm.s32 $0x1;
	[dreg:$0x9] =	wrdreg s0;
	s1 =	simm.s32 $0x3400  }
.LBB2_1:
0x14: {  	s0 =	rddreg [dreg:$0x4]  }
0x15: {  	[tilespmem:s2], [sflag:$0x1] =	stream.linear.gather [hbm4b:s0+s2], $0x2000, $0x38;
	[tilespmem:$0x7100] =	vst v63  }
0x16: {  	_ =	swait.ge [sflag:s26], $0x2000  }
0x17: {  	s9 =	sand.u32 $0x70, s2;
	s3 =	sand.u32 $0x1C00, s2;
	[sflag:s26] =	ssyncset.done $0x0  }
0x18: {  	s0 =	sor.u32 s9, s3;
	[sflag:s26] =	ssyncadd.s32 $0xFFFFE000  }
0x19: {  	v3 =	vld [tilespmem:s0+$0x0]  }
0x1a: {  	v4 =	vld [tilespmem:s0+$0x80]  }
0x1b: {  	v5 =	vld [tilespmem:s0+$0x100]  }
0x1c: {  	v6 =	vld [tilespmem:s0+$0x180]  }
0x1d: {  	v7 =	vld [tilespmem:s0+$0x200]  }
0x1e: {  	v8 =	vld [tilespmem:s0+$0x280]  }
0x1f: {  	v9 =	vld [tilespmem:s0+$0x300];
	v10 =	vmax.f32 v3, v4  }
0x20: {  	v11 =	vld [tilespmem:s0+$0x380];
	v12 =	vmax.f32 v10, v5  }
0x21: {  	v12 =	vmax.f32 v12, v6  }
0x22: {  	v12 =	vmax.f32 v12, v7  }
0x23: {  	v12 =	vmax.f32 v12, v8  }
0x24: {  	v12 =	vmax.f32 v12, v9  }
0x25: {  	v12 =	vmax.f32 v12, v11  }
0x26: {  	vm1 =	veq.f32 v11, v12  }
0x27: {  	vm0 =	vne.f32 v3, v12;
	v14 =	vsub.f32 v4, v12;
	v15 =	vsub.f32 v5, v12  }
0x28: {  	vm2 =	veq.f32 v8, v12;
	v16 =	vsub.f32 v9, v12;
	v17 =	vsub.f32 v3, v12  }
0x29: {  	v18 =	vsub.f32 v6, v12;
	v13 =	vsel vm1, $0x7, v0;
	vm1 =	veq.f32 v9, v12  }
0x2a: {  	v20 =	vsub.f32 v7, v12;
	v13 =	vsel vm1, $0x6, v13;
	vm1 =	veq.f32 v7, v12  }
0x2b: {  	v14 =	vmul.f32 $1.442695020e+00, v14;
	v15 =	vmul.f32 $1.442695020e+00, v15;
	v13 =	vsel vm2, $0x5, v13  }
0x2c: {  	v17 =	vmul.f32 $1.442695020e+00, v17;
	vm2 =	veq.f32 v6, v12;
	v13 =	vsel vm1, $0x4, v13  }
0x2d: {  	vm1 =	veq.f32 v5, v12;
	v13 =	vsel vm2, $0x3, v13;
	vm2 =	veq.f32 v4, v12  }
0x2e: {  	(erf) = vpow2.f32 v14;
	v13 =	vsel vm1, $0x2, v13;
	vm3 =	vmand vm0, vm2  }
0x2f: {  	(erf) = vpow2.f32 v15;
	v13 =	vsel vm2, $0x1, v13;
	v19 =	vsel vm3, v3, v10  }
0x30: {  	v15 =	vmul.f32 $1.442695020e+00, v18;
	v10 =	vnsel vm0, $0x0, v13;
	v13 =	vsel vm0, v19, v4  }
0x31: {  	v19 =	vmul.f32 $1.442695020e+00, v20;
	v20 =	vsub.f32 v8, v12;
	vm1 =	veq.s32 v10, $0x2  }
0x32: {  	v14 =	vmax.f32 v13, v5;
	vm2 =	veq.s32 v10, $0x3;
	vm7 =	veq.s32 v10, $0x4  }
0x33: {  	vm4 =	veq.s32 v10, $0x5;
	vm5 =	veq.s32 v10, $0x6;
	vm8 =	vne.s32 v10, $0x4  }
0x34: {  	vm6 =	veq.s32 v10, $0x7;
	vm9 =	vne.s32 v10, $0x5;
	v13 =	vsel vm1, v13, v14  }
0x35: {  	vm10 =	vne.s32 v10, $0x7;
	(erf) = vpow2.f32 v19;
	v13 =	vmax.f32 v13, v6  }
0x36: {  	v18 =	vmul.f32 $1.442695020e+00, v20;
	v26 =	vsel vm7, $0x3F800000, v2;
	v14 =	vsel vm2, v14, v13  }
0x37: {  	(erf) = vpow2.f32 v15;
	v15 =	vmul.f32 $1.442695020e+00, v16;
	v14 =	vmax.f32 v14, v7  }
0x38: {  	v30 =	vsel vm1, $0x3F800000, v2;
	(erf) = vpow2.f32 v18;
	v13 =	vsel vm7, v13, v14  }
0x39: {  	v16 =	vsub.f32 v11, v12;
	(erf) = vpow2.f32 v15;
	v13 =	vmax.f32 v13, v8  }
0x3a: {  	v31 =	vsel vm2, $0x3F800000, v2;
	(erf) = vpow2.f32 v17;
	v14 =	vsel vm4, v14, v13  }
0x3b: {  	v32 =	vsel vm4, $0x3F800000, v2;
	v15 =	vmul.f32 $1.442695020e+00, v16;
	v14 =	vmax.f32 v14, v9  }
0x3c: {  	v29 =	vsel vm5, $0x3F800000, v2;
	v18 =	vimm.f32 $0.0e+00;
	v13 =	vsel vm5, v13, v14  }
0x3d: {  	v20 =	vpop (erf);
	v17 =	vsel vm0, $0x0, v1;
	(erf) = vpow2.f32 v15;
	v13 =	vmax.f32 v13, v11  }
0x3e: {  	v21 =	vpop (erf);
	v15 =	vimm.f32 $0.0e+00;
	v13 =	vsel vm6, v14, v13;
	v14 =	vadd.f32 v17, v2  }
0x3f: {  	v19 =	vpop (erf);
	vm11 =	veq.f32 v11, v13;
	vm12 =	veq.f32 v8, v13;
	v8 =	vsub.f32 v13, v12  }
0x40: {  	v24 =	vpop (erf);
	vm7 =	veq.f32 v6, v13;
	vm13 =	vne.f32 v4, v13;
	v4 =	vsel vm3, $0x3F800000, v2  }
0x41: {  	v23 =	vpop (erf);
	vm10 =	vmand vm10, vm11;
	vm9 =	vmand vm9, vm12;
	vm11 =	vne.s32 v10, $0x3  }
0x42: {  	vm12 =	veq.f32 v5, v13;
	v22 =	vpop (erf);
	vm13 =	vmor vm3, vm13;
	vm3 =	veq.f32 v9, v13  }
0x43: {  	v11 =	vsel vm10, $0x7, v0;
	v6 =	vmul.f32 $1.442695020e+00, v8;
	vm10 =	veq.f32 v7, v13;
	v28 =	vpop (erf)  }
0x44: {  	vm8 =	vmand vm8, vm10;
	vm10 =	veq.f32 v3, v13;
	v3 =	vadd.f32 $0.0e+00, v28  }
0x45: {  	vm7 =	vmand vm11, vm7;
	vm11 =	vne.s32 v10, $0x2;
	(erf) = vpow2.f32 v6  }
0x46: {  	vm11 =	vmand vm11, vm12;
	vm12 =	vne.s32 v10, $0x6;
	v3 =	vadd.f32 v3, v20  }
0x47: {  	[tilespmem:s1+$0xFFFFFC00] =	vst v17;
	v17 =	vimm.f32 $0.0e+00;
	v5 =	vadd.f32 v4, v2;
	vm3 =	vmand vm12, vm3  }
0x48: {  	vm0 =	vmand vm0, vm10;
	v7 =	vsel vm3, $0x6, v11;
	v3 =	vadd.f32 v3, v21  }
0x49: {  	v6 =	vsel vm0, $0x3F800000, v2;
	vm3 =	vmor vm0, vm13;
	v7 =	vsel vm9, $0x5, v7  }
0x4a: {  	s7 =	sand.u32 $0x3F0, s2;
	v9 =	vsel vm3, $0x0, v1;
	v7 =	vsel vm8, $0x4, v7;
	v8 =	vadd.f32 v3, v24  }
0x4b: {  	v12 =	vimm.f32 $0.0e+00;
	[tilespmem:s7+$0x5000] =	vst v6;
	v3 =	vadd.f32 v9, v5;
	v5 =	vsel vm7, $0x3, v7  }
0x4c: {  	v13 =	vimm.f32 $0.0e+00;
	v11 =	vimm.f32 $0.0e+00;
	[tilespmem:s1+$0x0] =	vst v4;
	v5 =	vsel vm11, $0x2, v5  }
0x4d: {  	v27 =	vpop (erf);
	v16 =	vadd.f32 v6, v14;
	[tilespmem:s7+$0x5400] =	vst v9;
	v7 =	vadd.f32 v8, v19;
	v5 =	vnsel vm13, $0x1, v5  }
0x4e: {  	v14 =	vimm.f32 $0.0e+00;
	[tilespmem:s7+$0x3800] =	vst v30;
	v9 =	vimm.f32 $0.0e+00;
	v34 =	vsel vm0, $0x0, v5;
	v8 =	vpop (erf)  }
0x4f: {  	[tilespmem:s7+$0x3C00] =	vst v31;
	v5 =	vsel vm6, $0x3F800000, v2;
	v4 =	vadd.f32 v7, v23;
	v6 =	vadd.f32 $1.000000000e+00, v8  }
0x50: {  	[tilespmem:s7+$0x4400] =	vst v32;
	vm0 =	veq.s32 v34, $0x2;
	vm1 =	veq.s32 v34, $0x7;
	v25 =	vadd.f32 v5, v2  }
0x51: {  	[tilespmem:s7+$0x4800] =	vst v29;
	vm3 =	veq.s32 v34, $0x4;
	vm2 =	veq.s32 v34, $0x6;
	(erf) = vrcp.f32 v6  }
0x52: {  	s31 =	simm.s32 $0x10;
	v7 =	vimm.f32 $0.0e+00;
	[tilespmem:s7+$0x4C00] =	vst v5;
	v5 =	vimm.f32 $0.0e+00;
	v35 =	vsel vm1, $0x3F800000, v2  }
0x53: {  	s4 =	simm.s32 $0x2C00;
	s5 =	simm.s32 $0x2400;
	s30 =	simm.s32 $0x2400;
	[tilespmem:s7+$0x4000] =	vst v26;
	v33 =	vsel vm3, $0x3F800000, v2;
	vm1 =	veq.s32 v34, $0x5;
	v8 =	vimm.f32 $0.0e+00  }
0x54: {  	s29 =	simm.s32 $0x2C00;
	s3 =	simm.s32 $0x0;
	s0 =	simm.s32 $0x3410;
	v36 =	vadd.f32 v4, v22;
	v4 =	vimm.f32 $0.0e+00;
	[tilespmem:s7+$0x6C00] =	vst v35;
	v6 =	vimm.f32 $0.0e+00  }
.LBB2_2:
0x55: {  	[tilespmem:s7+$0x6000] =	vst v33;
	v37 =	vsel vm2, $0x3F800000, v2;
	v25 =	vadd.f32 v35, v25;
	s3 =	sadd.s32 $0x80, s3;
	s4 =	sadd.s32 $0x10, s4;
	s5 =	sadd.s32 $0x10, s5  }
0x56: {  	p0 =	sne.s32 s31, $0x3F0;
	s6 =	smov.u32 s31;
	s31 =	sadd.s32 $0x10, s31;
	v35 =	vadd.f32 v36, v27;
	v36 =	vsel vm0, $0x3F800000, v2;
	vm0 =	veq.s32 v34, $0x3;
	[tilespmem:s7+$0x6800] =	vst v37  }
0x57: {  	[tilespmem:s7+$0x5800] =	vst v36;
	v38 =	vsel vm0, $0x3F800000, v2  }
0x58: {  	v7 =	vadd.f32 v32, v7;
	[tilespmem:s7+$0x5C00] =	vst v38;
	(erf) = vrcp.f32 v35  }
0x59: {  	v32 =	vsel vm1, $0x3F800000, v2  }
0x5a: {  	v17 =	vadd.f32 v30, v17;
	v7 =	vadd.f32 v32, v7;
	[tilespmem:s7+$0x6400] =	vst v32;
	v30 =	vpop (erf)  }
0x5b: {  	v14 =	vadd.f32 v31, v14;
	[tilespmem:s30+$0xFFFFFC00] =	vst v10;
	v10 =	vsub.f32 $1.000000000e+00, v30  }
0x5c: {  	v8 =	vadd.f32 v29, v8;
	[tilespmem:s30+$0x0] =	vst v34;
	s30 =	smov.u32 s5  }
0x5d: {  	v17 =	vadd.f32 v36, v17;
	v14 =	vadd.f32 v38, v14;
	[tilespmem:s29+$0x0] =	vst v10  }
0x5e: {  	s9 =	sand.u32 $0x1C00, s3;
	v8 =	vadd.f32 v37, v8;
	s7 =	sand.u32 $0x70, s6;
	[tilespmem:s29+$0xFFFFFC00] =	vst v30;
	s29 =	smov.u32 s4  }
0x5f: {  	s7 =	sor.u32 s7, s9  }
0x60: {  	v10 =	vadd.f32 v26, v12  }
0x61: {  	v26 =	vpop (erf)  }
0x62: {  	v12 =	vadd.f32 v33, v10;
	v28 =	vmul.f32 v26, v28;
	v20 =	vmul.f32 v26, v20  }
0x63: {  	v10 =	vmul.f32 v26, v21;
	v21 =	vmul.f32 v26, v24  }
0x64: {  	v19 =	vmul.f32 v26, v19;
	v23 =	vmul.f32 v26, v23;
	v30 =	vld [tilespmem:s7+$0x180];
	v15 =	vadd.f32 v28, v15  }
0x65: {  	v11 =	vadd.f32 v10, v11;
	v10 =	vmul.f32 v26, v22;
	v22 =	vmul.f32 v26, v27;
	v28 =	vld [tilespmem:s7+$0x100]  }
0x66: {  	v9 =	vadd.f32 v21, v9;
	v6 =	vadd.f32 v23, v6;
	v29 =	vld [tilespmem:s7+$0x0]  }
0x67: {  	v4 =	vadd.f32 v10, v4;
	v5 =	vadd.f32 v22, v5;
	v27 =	vld [tilespmem:s7+$0x80]  }
0x68: {  	v18 =	vadd.f32 v20, v18;
	v13 =	vadd.f32 v19, v13;
	v22 =	vld [tilespmem:s7+$0x380]  }
0x69: {  	v23 =	vld [tilespmem:s7+$0x280]  }
0x6a: {  	v32 =	vld [tilespmem:s7+$0x200];
	_ =	sdelay $0x1  }
0x6b: {  	v31 =	vld [tilespmem:s7+$0x300];
	v10 =	vmax.f32 v29, v27  }
0x6c: {  	v19 =	vmax.f32 v10, v28  }
0x6d: {  	v19 =	vmax.f32 v19, v30  }
0x6e: {  	v19 =	vmax.f32 v19, v32  }
0x6f: {  	v19 =	vmax.f32 v19, v23  }
0x70: {  	v19 =	vmax.f32 v19, v31  }
0x71: {  	v24 =	vmax.f32 v19, v22  }
0x72: {  	vm1 =	veq.f32 v22, v24;
	vm0 =	vne.f32 v29, v24;
	v19 =	vsub.f32 v27, v24  }
0x73: {  	vm2 =	veq.f32 v23, v24;
	v20 =	vsel vm1, $0x7, v0;
	vm1 =	veq.f32 v31, v24  }
0x74: {  	v21 =	vsub.f32 v28, v24;
	v20 =	vsel vm1, $0x6, v20;
	vm1 =	veq.f32 v32, v24  }
0x75: {  	v26 =	vsub.f32 v31, v24;
	v20 =	vsel vm2, $0x5, v20;
	vm2 =	veq.f32 v30, v24  }
0x76: {  	v33 =	vsub.f32 v29, v24;
	v19 =	vmul.f32 $1.442695020e+00, v19;
	v20 =	vsel vm1, $0x4, v20  }
0x77: {  	v34 =	vsub.f32 v30, v24;
	vm1 =	veq.f32 v28, v24;
	v20 =	vsel vm2, $0x3, v20  }
0x78: {  	v21 =	vmul.f32 $1.442695020e+00, v21;
	v20 =	vsel vm1, $0x2, v20;
	vm1 =	veq.f32 v27, v24  }
0x79: {  	v33 =	vmul.f32 $1.442695020e+00, v33;
	v20 =	vsel vm1, $0x1, v20;
	vm4 =	vmand vm0, vm1  }
0x7a: {  	v36 =	vsub.f32 v32, v24;
	v34 =	vmul.f32 $1.442695020e+00, v34;
	v35 =	vsel vm4, v29, v10  }
0x7b: {  	v10 =	vnsel vm0, $0x0, v20;
	v20 =	vsel vm0, v35, v27;
	(erf) = vpow2.f32 v19  }
0x7c: {  	vm1 =	veq.s32 v10, $0x2;
	v35 =	vmul.f32 $1.442695020e+00, v36;
	v19 =	vmax.f32 v20, v28  }
0x7d: {  	v36 =	vsub.f32 v23, v24;
	v20 =	vsel vm1, v20, v19;
	(erf) = vpow2.f32 v21  }
0x7e: {  	vm2 =	veq.s32 v10, $0x3;
	v20 =	vmax.f32 v20, v30;
	(erf) = vpow2.f32 v35  }
0x7f: {  	v21 =	vmul.f32 $1.442695020e+00, v36;
	v19 =	vsel vm2, v19, v20;
	(erf) = vpow2.f32 v34  }
0x80: {  	v26 =	vmul.f32 $1.442695020e+00, v26;
	vm8 =	veq.s32 v10, $0x4;
	v19 =	vmax.f32 v19, v32  }
0x81: {  	v34 =	vsub.f32 v22, v24;
	v20 =	vsel vm8, v20, v19;
	(erf) = vpow2.f32 v21  }
0x82: {  	vm3 =	veq.s32 v10, $0x5;
	v21 =	vmax.f32 v20, v23;
	(erf) = vpow2.f32 v26  }
0x83: {  	v26 =	vmul.f32 $1.442695020e+00, v34;
	v19 =	vsel vm3, v19, v21;
	(erf) = vpow2.f32 v33  }
0x84: {  	vm5 =	veq.s32 v10, $0x6;
	vm9 =	vne.s32 v10, $0x4;
	v19 =	vmax.f32 v19, v31;
	v20 =	vpop (erf)  }
0x85: {  	v33 =	vsel vm0, $0x0, v1;
	v34 =	vsel vm5, v21, v19;
	(erf) = vpow2.f32 v26  }
0x86: {  	vm6 =	veq.s32 v10, $0x7;
	vm7 =	vne.s32 v10, $0x5;
	v26 =	vmax.f32 v34, v22;
	v21 =	vpop (erf)  }
0x87: {  	vm10 =	vne.s32 v10, $0x7;
	v16 =	vadd.f32 v33, v16;
	v34 =	vsel vm6, v19, v26;
	v19 =	vpop (erf)  }
0x88: {  	vm11 =	veq.f32 v22, v34;
	vm12 =	veq.f32 v23, v34;
	v36 =	vsub.f32 v34, v24;
	v24 =	vpop (erf)  }
0x89: {  	v26 =	vsel vm8, $0x3F800000, v2;
	vm10 =	vmand vm10, vm11;
	vm7 =	vmand vm7, vm12  }
0x8a: {  	vm8 =	veq.f32 v30, v34;
	v35 =	vsel vm10, $0x7, v0;
	v30 =	vmul.f32 $1.442695020e+00, v36;
	v23 =	vpop (erf)  }
0x8b: {  	vm11 =	vne.s32 v10, $0x3;
	vm12 =	veq.f32 v28, v34;
	vm10 =	veq.f32 v32, v34;
	v22 =	vpop (erf)  }
0x8c: {  	vm13 =	veq.f32 v29, v34;
	vm10 =	vmand vm9, vm10;
	(erf) = vpow2.f32 v30;
	v28 =	vpop (erf)  }
0x8d: {  	vm11 =	vmand vm11, vm8;
	vm8 =	vne.s32 v10, $0x2;
	v29 =	vadd.f32 $0.0e+00, v28  }
0x8e: {  	vm14 =	vne.s32 v10, $0x6;
	vm9 =	vmand vm8, vm12;
	vm8 =	vne.f32 v27, v34;
	v27 =	vpop (erf)  }
0x8f: {  	vm8 =	vmor vm4, vm8;
	v30 =	vsel vm4, $0x3F800000, v2;
	v29 =	vadd.f32 v29, v20  }
0x90: {  	vm0 =	vmand vm0, vm13;
	vm4 =	veq.f32 v31, v34;
	v3 =	vadd.f32 v30, v3  }
0x91: {  	s7 =	sand.u32 $0x3F0, s6;
	v31 =	vsel vm0, $0x3F800000, v2;
	vm4 =	vmand vm14, vm4;
	v29 =	vadd.f32 v29, v21;
	[tilespmem:s0+$0xFFFFFC00] =	vst v33  }
0x92: {  	v16 =	vadd.f32 v31, v16;
	v32 =	vsel vm4, $0x6, v35;
	vm4 =	vmor vm0, vm8;
	[tilespmem:s7+$0x5000] =	vst v31  }
0x93: {  	v31 =	vsel vm7, $0x5, v32;
	v32 =	vsel vm4, $0x0, v1;
	v29 =	vadd.f32 v29, v24;
	[tilespmem:s0+$0x0] =	vst v30  }
0x94: {  	v31 =	vsel vm10, $0x4, v31;
	v3 =	vadd.f32 v32, v3;
	v30 =	vsel vm1, $0x3F800000, v2;
	[tilespmem:s7+$0x5400] =	vst v32  }
0x95: {  	v32 =	vsel vm11, $0x3, v31;
	v31 =	vsel vm2, $0x3F800000, v2;
	v29 =	vadd.f32 v29, v19;
	[tilespmem:s7+$0x3800] =	vst v30;
	v33 =	vpop (erf)  }
0x96: {  	v34 =	vsel vm9, $0x2, v32;
	v32 =	vsel vm3, $0x3F800000, v2;
	v33 =	vadd.f32 $1.000000000e+00, v33;
	[tilespmem:s7+$0x3C00] =	vst v31  }
.Ltmp0:
0x97: {  	v34 =	vnsel vm8, $0x1, v34;
	v36 =	vadd.f32 v29, v23;
	[tilespmem:s7+$0x4400] =	vst v32;
	v29 =	vsel vm5, $0x3F800000, v2;
	(pc) =	sbr.rel @p0 .LBB2_2-.Ltmp0, $4  }
0x98: {  	v37 =	vsel vm6, $0x3F800000, v2;
	v34 =	vsel vm0, $0x0, v34;
	[tilespmem:s7+$0x4800] =	vst v29;
	(erf) = vrcp.f32 v33  }
0x99: {  	v25 =	vadd.f32 v37, v25;
	vm0 =	veq.s32 v34, $0x2;
	vm1 =	veq.s32 v34, $0x7;
	[tilespmem:s7+$0x4000] =	vst v26  }
0x9a: {  	vm3 =	veq.s32 v34, $0x4;
	vm2 =	veq.s32 v34, $0x6;
	v35 =	vsel vm1, $0x3F800000, v2;
	[tilespmem:s7+$0x4C00] =	vst v37  }
0x9b: {  	s0 =	sadd.s32 $0x10, s0;
	v36 =	vadd.f32 v36, v22;
	v33 =	vsel vm3, $0x3F800000, v2;
	vm1 =	veq.s32 v34, $0x5;
	[tilespmem:s7+$0x6C00] =	vst v35  }
0x9c: {  	_ = 	snop  }
0x9d: {  	v36 =	vadd.f32 v36, v27  }
0x9e: {  	[tilespmem:s7+$0x6000] =	vst v33;
	v51 =	vsel vm2, $0x3F800000, v2  }
0x9f: {  	v37 =	vsel vm0, $0x3F800000, v2;
	[tilespmem:s7+$0x6800] =	vst v51;
	(erf) = vrcp.f32 v36  }
0xa0: {  	vm15 =	veq.s32 v34, $0x3;
	v39 =	vsel vm1, $0x3F800000, v2;
	[tilespmem:s7+$0x5800] =	vst v37  }
0xa1: {  	v38 =	vsel vm15, $0x3F800000, v2;
	[tilespmem:s7+$0x6400] =	vst v39  }
0xa2: {  	[tilespmem:s7+$0x5C00] =	vst v38  }
0xa3: {  	[tilespmem:s30+$0xFFFFFC00] =	vst v10;
	v40 =	vpop (erf)  }
0xa4: {  	[tilespmem:s30+$0x0] =	vst v34;
	v52 =	vsub.f32 $1.000000000e+00, v40  }
0xa5: {  	v17 =	vadd.f32 v30, v17;
	[tilespmem:s29+$0xFFFFFC00] =	vst v40  }
0xa6: {  	v14 =	vadd.f32 v31, v14;
	[tilespmem:s29+$0x0] =	vst v52  }
0xa7: {  	v12 =	vadd.f32 v26, v12;
	v55 =	vadd.f32 v37, v17;
	[tilespmem:$0x7000] =	vst v16  }
0xa8: {  	v56 =	vadd.f32 v38, v14;
	[tilespmem:$0x7010] =	vst v3;
	v41 =	vpop (erf)  }
0xa9: {  	v58 =	vadd.f32 v33, v12;
	[tilespmem:$0x7020] =	vst v55;
	v28 =	vmul.f32 v41, v28  }
0xaa: {  	v63 =	vadd.f32 v35, v25;
	[tilespmem:$0x7030] =	vst v56;
	v53 =	vmul.f32 v41, v20  }
0xab: {  	[tilespmem:$0x7040] =	vst v58;
	v54 =	vmul.f32 v41, v21;
	v15 =	vadd.f32 v28, v15  }
0xac: {  	[tilespmem:$0x7070] =	vst v63;
	v3 =	vmul.f32 v41, v24;
	v10 =	vadd.f32 v53, v18  }
0xad: {  	v57 =	vmul.f32 v41, v19;
	v11 =	vadd.f32 v54, v11;
	[tilespmem:$0x7080] =	vst v15  }
0xae: {  	v7 =	vadd.f32 v32, v7;
	v3 =	vadd.f32 v3, v9;
	[tilespmem:$0x7090] =	vst v10  }
0xaf: {  	v59 =	vmul.f32 v41, v23;
	v60 =	vadd.f32 v57, v13;
	[tilespmem:$0x70A0] =	vst v11  }
0xb0: {  	v62 =	vmul.f32 v41, v22;
	[tilespmem:$0x70B0] =	vst v3;
	v3 =	vadd.f32 v39, v7  }
0xb1: {  	v61 =	vadd.f32 v29, v8;
	v6 =	vadd.f32 v59, v6;
	[tilespmem:$0x70C0] =	vst v60  }
0xb2: {  	v4 =	vadd.f32 v62, v4;
	[tilespmem:$0x7050] =	vst v3;
	v3 =	vmul.f32 v41, v27  }
0xb3: {  	v7 =	vadd.f32 v51, v61;
	[tilespmem:$0x70D0] =	vst v6  }
0xb4: {  	[tilespmem:$0x70E0] =	vst v4;
	v3 =	vadd.f32 v3, v5  }
0xb5: {  	[tilespmem:$0x7060] =	vst v7  }
0xb6: {  	s0 =	rddreg [dreg:$0x5];
	s3 =	simm.s32 $0x2000;
	[tilespmem:$0x70F0] =	vst v3  }
0xb7: {  	[hbm4b:s0+s2] =	stream.linear.scatter [tilespmem:s3], [sflag:$0x1], $0x400, $0x38;
	[tilespmem:$0x7100] =	vst v63  }
0xb8: {  	_ =	swait.ge [sflag:s26], $0x400  }
0xb9: {  	[sflag:s26] =	ssyncset.done $0x0  }
0xba: {  	s7 =	simm.s32 $0x2800;
	s6 =	rddreg [dreg:$0x6];
	[sflag:s26] =	ssyncadd.s32 $0xFFFFFC00  }
0xbb: {  	[hbm4b:s6+s2] =	stream.linear.scatter [tilespmem:s7], [sflag:$0x1], $0x400, $0x38;
	[tilespmem:$0x7100] =	vst v63  }
0xbc: {  	_ =	swait.ge [sflag:s26], $0x400  }
0xbd: {  	[sflag:s26] =	ssyncset.done $0x0  }
0xbe: {  	s29 =	simm.s32 $0x2400;
	s9 =	rddreg [dreg:$0x7];
	[sflag:s26] =	ssyncadd.s32 $0xFFFFFC00  }
0xbf: {  	[hbm4b:s9+s2] =	stream.linear.scatter [tilespmem:s29], [sflag:$0x1], $0x400, $0x38;
	[tilespmem:$0x7100] =	vst v63  }
0xc0: {  	_ =	swait.ge [sflag:s26], $0x400  }
0xc1: {  	[sflag:s26] =	ssyncset.done $0x0  }
0xc2: {  	s31 =	simm.s32 $0x2C00;
	s30 =	rddreg [dreg:$0x8];
	[sflag:s26] =	ssyncadd.s32 $0xFFFFFC00  }
0xc3: {  	[hbm4b:s30+s2] =	stream.linear.scatter [tilespmem:s31], [sflag:$0x1], $0x400, $0x38;
	[tilespmem:$0x7100] =	vst v63  }
0xc4: {  	_ =	swait.ge [sflag:s26], $0x400  }
0xc5: {  	[sflag:s26] =	ssyncset.done $0x0  }
0xc6: {  	s4 =	simm.s32 $0x3000;
	[sflag:s26] =	ssyncadd.s32 $0xFFFFFC00  }
0xc7: {  	[hbm4b:s8+s2] =	stream.linear.scatter [tilespmem:s4], [sflag:$0x1], $0x400, $0x38;
	[tilespmem:$0x7100] =	vst v63  }
0xc8: {  	_ =	swait.ge [sflag:s26], $0x400  }
0xc9: {  	[sflag:s26] =	ssyncset.done $0x0  }
0xca: {  	s5 =	rddreg [dreg:$0x9];
	[sflag:s26] =	ssyncadd.s32 $0xFFFFFC00  }
0xcb: {  	[hbm4b:s5+s2] =	stream.linear.scatter [tilespmem:s1], [sflag:$0x1], $0x400, $0x38;
	[tilespmem:$0x7100] =	vst v63  }
0xcc: {  	_ =	swait.ge [sflag:s26], $0x400  }
0xcd: {  	[sflag:s26] =	ssyncset.done $0x0  }
0xce: {  	s6 =	simm.s32 $0x3800;
	[sflag:s26] =	ssyncadd.s32 $0xFFFFFC00  }
0xcf: {  	[hbm4b:s10+s2] =	stream.linear.scatter [tilespmem:s6], [sflag:$0x1], $0x400, $0x38;
	[tilespmem:$0x7100] =	vst v63  }
0xd0: {  	_ =	swait.ge [sflag:s26], $0x400  }
0xd1: {  	[sflag:s26] =	ssyncset.done $0x0  }
0xd2: {  	s7 =	simm.s32 $0x3C00;
	[sflag:s26] =	ssyncadd.s32 $0xFFFFFC00  }
0xd3: {  	[hbm4b:s11+s2] =	stream.linear.scatter [tilespmem:s7], [sflag:$0x1], $0x400, $0x38;
	[tilespmem:$0x7100] =	vst v63  }
0xd4: {  	_ =	swait.ge [sflag:s26], $0x400  }
0xd5: {  	[sflag:s26] =	ssyncset.done $0x0  }
0xd6: {  	s9 =	simm.s32 $0x4000;
	[sflag:s26] =	ssyncadd.s32 $0xFFFFFC00  }
0xd7: {  	[hbm4b:s12+s2] =	stream.linear.scatter [tilespmem:s9], [sflag:$0x1], $0x400, $0x38;
	[tilespmem:$0x7100] =	vst v63  }
0xd8: {  	_ =	swait.ge [sflag:s26], $0x400  }
0xd9: {  	[sflag:s26] =	ssyncset.done $0x0  }
0xda: {  	s29 =	simm.s32 $0x4400;
	[sflag:s26] =	ssyncadd.s32 $0xFFFFFC00  }
0xdb: {  	[hbm4b:s13+s2] =	stream.linear.scatter [tilespmem:s29], [sflag:$0x1], $0x400, $0x38;
	[tilespmem:$0x7100] =	vst v63  }
0xdc: {  	_ =	swait.ge [sflag:s26], $0x400  }
0xdd: {  	[sflag:s26] =	ssyncset.done $0x0  }
0xde: {  	s30 =	simm.s32 $0x4800;
	[sflag:s26] =	ssyncadd.s32 $0xFFFFFC00  }
0xdf: {  	[hbm4b:s14+s2] =	stream.linear.scatter [tilespmem:s30], [sflag:$0x1], $0x400, $0x38;
	[tilespmem:$0x7100] =	vst v63  }
0xe0: {  	_ =	swait.ge [sflag:s26], $0x400  }
0xe1: {  	[sflag:s26] =	ssyncset.done $0x0  }
0xe2: {  	s31 =	simm.s32 $0x4C00;
	[sflag:s26] =	ssyncadd.s32 $0xFFFFFC00  }
0xe3: {  	[hbm4b:s15+s2] =	stream.linear.scatter [tilespmem:s31], [sflag:$0x1], $0x400, $0x38;
	[tilespmem:$0x7100] =	vst v63  }
0xe4: {  	_ =	swait.ge [sflag:s26], $0x400  }
0xe5: {  	[sflag:s26] =	ssyncset.done $0x0  }
0xe6: {  	s3 =	simm.s32 $0x5000;
	[sflag:s26] =	ssyncadd.s32 $0xFFFFFC00  }
0xe7: {  	[hbm4b:s16+s2] =	stream.linear.scatter [tilespmem:s3], [sflag:$0x1], $0x400, $0x38;
	[tilespmem:$0x7100] =	vst v63  }
0xe8: {  	_ =	swait.ge [sflag:s26], $0x400  }
0xe9: {  	[sflag:s26] =	ssyncset.done $0x0  }
0xea: {  	s4 =	simm.s32 $0x5400;
	[sflag:s26] =	ssyncadd.s32 $0xFFFFFC00  }
0xeb: {  	[hbm4b:s17+s2] =	stream.linear.scatter [tilespmem:s4], [sflag:$0x1], $0x400, $0x38;
	[tilespmem:$0x7100] =	vst v63  }
0xec: {  	_ =	swait.ge [sflag:s26], $0x400  }
0xed: {  	[sflag:s26] =	ssyncset.done $0x0  }
0xee: {  	s5 =	simm.s32 $0x5800;
	[sflag:s26] =	ssyncadd.s32 $0xFFFFFC00  }
0xef: {  	[hbm4b:s18+s2] =	stream.linear.scatter [tilespmem:s5], [sflag:$0x1], $0x400, $0x38;
	[tilespmem:$0x7100] =	vst v63  }
0xf0: {  	_ =	swait.ge [sflag:s26], $0x400  }
0xf1: {  	[sflag:s26] =	ssyncset.done $0x0  }
0xf2: {  	s6 =	simm.s32 $0x5C00;
	[sflag:s26] =	ssyncadd.s32 $0xFFFFFC00  }
0xf3: {  	[hbm4b:s19+s2] =	stream.linear.scatter [tilespmem:s6], [sflag:$0x1], $0x400, $0x38;
	[tilespmem:$0x7100] =	vst v63  }
0xf4: {  	_ =	swait.ge [sflag:s26], $0x400  }
0xf5: {  	[sflag:s26] =	ssyncset.done $0x0  }
0xf6: {  	s7 =	simm.s32 $0x6000;
	[sflag:s26] =	ssyncadd.s32 $0xFFFFFC00  }
0xf7: {  	[hbm4b:s20+s2] =	stream.linear.scatter [tilespmem:s7], [sflag:$0x1], $0x400, $0x38;
	[tilespmem:$0x7100] =	vst v63  }
0xf8: {  	_ =	swait.ge [sflag:s26], $0x400  }
0xf9: {  	[sflag:s26] =	ssyncset.done $0x0  }
0xfa: {  	s9 =	simm.s32 $0x6400;
	[sflag:s26] =	ssyncadd.s32 $0xFFFFFC00  }
0xfb: {  	[hbm4b:s21+s2] =	stream.linear.scatter [tilespmem:s9], [sflag:$0x1], $0x400, $0x38;
	[tilespmem:$0x7100] =	vst v63  }
0xfc: {  	_ =	swait.ge [sflag:s26], $0x400  }
0xfd: {  	[sflag:s26] =	ssyncset.done $0x0  }
0xfe: {  	s29 =	simm.s32 $0x6800;
	[sflag:s26] =	ssyncadd.s32 $0xFFFFFC00  }
0xff: {  	[hbm4b:s22+s2] =	stream.linear.scatter [tilespmem:s29], [sflag:$0x1], $0x400, $0x38;
	[tilespmem:$0x7100] =	vst v63  }
0x100: {  	_ =	swait.ge [sflag:s26], $0x400  }
0x101: {  	[sflag:s26] =	ssyncset.done $0x0  }
0x102: {  	s30 =	simm.s32 $0x6C00;
	[sflag:s26] =	ssyncadd.s32 $0xFFFFFC00  }
0x103: {  	[hbm4b:s23+s2] =	stream.linear.scatter [tilespmem:s30], [sflag:$0x1], $0x400, $0x38;
	[tilespmem:$0x7100] =	vst v63  }
0x104: {  	s28 =	sadd.s32 $0x1, s28;
	_ =	swait.ge [sflag:s26], $0x400  }
0x105: {  	p0 =	sne.s32 s28, s25;
	[sflag:s26] =	ssyncset.done $0x0  }
.Ltmp1:
0x106: {  	s31 =	simm.s32 $0x7000;
	[sflag:s26] =	ssyncadd.s32 $0xFFFFFC00;
	(pc) =	sbr.rel @p0 .LBB2_1-.Ltmp1, $4  }
0x107: {  	[hbm4b:s24+s2] =	stream.linear.scatter [tilespmem:s31], [sflag:$0x1], $0x100, $0x38;
	[tilespmem:$0x7100] =	vst v63  }
0x108: {  	_ =	swait.ge [sflag:s26], $0x100  }
0x109: {  	[sflag:s26] =	ssyncset.done $0x0  }
0x10a: {  	[sflag:s26] =	ssyncadd.s32 $0xFFFFFF00  }
0x10b: {  	_ =	sfence.sel $0x180000  }
0x10c: {  	[bflag:$0x0] =	sbarrier.arrive $0xFFFF  }
0x10d: {  	_ =	strace $0x90000047  }
0x10e: {  	s0 =	stileid.u32;
	[bflag:$0x2] =	sbarrier.arrive $0xFFFF  }
0x10f: {  	p0 =	sne.s32 s0, $0x0;
	s0 =	rddreg [dreg:$0x3]  }
0x110: {  	s0 =	sadd.s32 @!p0 $0x100000, s0  }
0x111: {  	[sflag:s0] =	ssyncadd.tile.s32 @!p0 $0x1;
	_ =	shalt  }
.Lfunc_end2:
_tile_overlayer_lowered:
.L_overlay_start_2:
0x112: {  	(tag) =	ssettag $0x2  }
0x113: {  	s0 =	rddreg [dreg:$0x0];
	s2 =	stileid.u32  }
0x114: {  	s1 =	rddreg [dreg:$0x1];
	p0 =	sne.s32 s2, $0x0  }
0x115: {  	s3 =	rddreg [dreg:$0x2];
	[bflag:$0x3] =	sbarrier.arrive $0xFFFF;
	s2 =	simm.s32 @!p0 $0x1C01  }
0x116: {  	[timem:s3], [sflag:s2] =	dma.local @!p0 [hbm:s0], s1  }
0x117: {  	s0 =	simm.s32 @!p0 $0x1  }
0x118: {  	_ =	swait.ge @!p0 [sflag:s0], s1  }
0x119: {  	s1 =	ssub.s32 @!p0 $0x0, s1;
	[sflag:s0] =	ssyncset.done @!p0 $0x0  }
0x11a: {  	[sflag:s0] =	ssyncadd.s32 @!p0 s1  }
0x11b: {  	[bflag:$0x3] =	sbarrier.arrive $0xFFFF  }
0x11c: {  	_ =	shalt  }

</sc_bundles>
